<compile_context>
chip_gen: v7x
topology: tpu7x:2x2x1
jax: 0.10.2.dev20260603
libtpu: 0.0.44.dev20260713+nightly
codegen_flags: <defaults>
</compile_context>

<pallas_src>
import functools

import jax
import jax.numpy as jnp
from jax import lax
from jax.experimental import pallas as pl
from jax.experimental.pallas import tpu as pltpu
from jax.experimental.pallas import tpu_sc as plsc

NC = 2
NS = 16
NW = NC * NS
CHUNK = 128
CW = 32
NBUF = 4
PK = 4

_MESH = plsc.VectorSubcoreMesh(
    core_axis_name="c", subcore_axis_name="s", num_cores=NC, num_subcores=NS
)


def _make_sc_edge_pass(n, h, rt, do_cnt):
  step = ((n // NS) // 8) * 8
  stripe_rows = n - (NS - 1) * step
  base, rem = divmod(rt, NW)
  buf_rows = base + 1 if rem else base
  static_rows = (base // NBUF) * NBUF
  out_type = [jax.ShapeDtypeStruct((NC, n, h), jnp.float32)]
  scratch = [
      pltpu.VMEM((buf_rows, CHUNK), jnp.int32),
      pltpu.VMEM((buf_rows, CHUNK), jnp.int32),
      [pltpu.VMEM((CHUNK, h), jnp.float32) for _ in range(NBUF)],
      pltpu.VMEM_SHARED((n, h), jnp.float32),
      pltpu.VMEM_SHARED((n, h), jnp.float32),
      [pltpu.SemaphoreType.DMA for _ in range(NBUF)],
  ]
  if do_cnt:
    out_type.append(jax.ShapeDtypeStruct((NC, n, CW), jnp.float32))
    scratch += [
        pltpu.VMEM((CHUNK, CW // 2), jnp.float32),
        pltpu.VMEM_SHARED((n, CW // 2), jnp.float32),
        pltpu.SemaphoreType.DMA,
        pltpu.VMEM((stripe_rows, CW // 2), jnp.float32),
        pltpu.VMEM((stripe_rows, CW), jnp.float32),
    ]

  def body(*refs):
    if do_cnt:
      (p_hbm, z32, z16, ones_hbm, edges_hbm,
       acc_out, cnt_out, srcv, dstv, rows, acc_sp, tbl_sp,
       sems, onesv, cnt_sp, csem, c16v, ebuf) = refs
    else:
      (p_hbm, z32, edges_hbm,
       acc_out, srcv, dstv, rows, acc_sp, tbl_sp, sems) = refs
    c = lax.axis_index("c")
    s = lax.axis_index("s")
    wid = s * NC + c
    nw_rows = base + jnp.where(wid >= NW - rem, 1, 0) if rem else base
    row0 = base * wid + (jnp.maximum(wid - (NW - rem), 0) if rem else 0)
    r0 = pl.multiple_of(s * step, 8)
    stripe = pl.ds(r0, stripe_rows)
    pltpu.sync_copy(p_hbm.at[stripe], tbl_sp.at[stripe])
    pltpu.sync_copy(z32, acc_sp.at[stripe])
    if do_cnt:
      pltpu.sync_copy(z16, cnt_sp.at[stripe])
      pltpu.sync_copy(ones_hbm, onesv)
    pltpu.sync_copy(edges_hbm.at[pl.ds(row0, buf_rows), 0], srcv)
    pltpu.sync_copy(edges_hbm.at[pl.ds(row0, buf_rows), 1], dstv)
    plsc.subcore_barrier()

    for k in range(NBUF - 1):
      pltpu.async_copy(tbl_sp.at[srcv.at[k]], rows[k], sems[k])

    def edge_step(i, carry):
      for k in range(NBUF):
        j = NBUF * i + k
        nxt = (k + NBUF - 1) % NBUF

        @pl.when(j + NBUF - 1 < static_rows)
        def _():
          pltpu.async_copy(tbl_sp.at[srcv.at[j + NBUF - 1]], rows[nxt],
                           sems[nxt])

        pltpu.make_async_copy(tbl_sp.at[srcv.at[j]], rows[k], sems[k]).wait()
        pltpu.sync_copy(rows[k], acc_sp.at[dstv.at[j]], add=True)
        if do_cnt:
          pltpu.async_copy(onesv, cnt_sp.at[dstv.at[j]], csem, add=True)
      return carry

    lax.fori_loop(0, static_rows // NBUF, edge_step, 0)

    def tail_step(j, carry):
      pltpu.async_copy(tbl_sp.at[srcv.at[j]], rows[0], sems[0]).wait()
      pltpu.sync_copy(rows[0], acc_sp.at[dstv.at[j]], add=True)
      if do_cnt:
        pltpu.sync_copy(onesv, cnt_sp.at[dstv.at[j]], add=True)
      return carry

    lax.fori_loop(static_rows, nw_rows, tail_step, 0)
    if do_cnt:
      def cnt_drain(j, carry):
        pltpu.make_async_copy(onesv, cnt_sp.at[dstv.at[0]], csem).wait()
        return carry

      lax.fori_loop(0, static_rows, cnt_drain, 0)
    plsc.subcore_barrier()
    pltpu.sync_copy(acc_sp.at[stripe], acc_out.at[c, stripe])
    if do_cnt:
      pltpu.sync_copy(cnt_sp.at[stripe], c16v)

      def widen(i, carry):
        v = c16v[i, :]
        ebuf[i, 0:CW // 2] = v
        ebuf[i, CW // 2:CW] = v
        return carry

      lax.fori_loop(0, stripe_rows, widen, 0)
      pltpu.sync_copy(ebuf, cnt_out.at[c, stripe])

  return pl.kernel(body, out_type=out_type if do_cnt else out_type[0],
                   mesh=_MESH, scratch_types=scratch,
                   compiler_params=pltpu.CompilerParams(
                       use_tc_tiling_on_sc=False))


def _mm_dual_packed(x, wl4, wr4, block_rows):
  n, d = x.shape
  r = n // PK
  d4 = PK * d
  m = wl4.shape[1]

  def body(x_ref, wl_ref, wr_ref, p_ref, q_ref):
    xb = x_ref[...].reshape(block_rows, d4)
    p_ref[...] = jnp.dot(xb, wl_ref[...], preferred_element_type=jnp.float32)
    q_ref[...] = jnp.dot(xb, wr_ref[...], preferred_element_type=jnp.float32)

  return pl.pallas_call(
      body,
      grid=(pl.cdiv(r, block_rows),),
      in_specs=[
          pl.BlockSpec((PK * block_rows, d), lambda i: (i, 0)),
          pl.BlockSpec((d4, m), lambda i: (0, 0)),
          pl.BlockSpec((d4, m), lambda i: (0, 0)),
      ],
      out_specs=[
          pl.BlockSpec((block_rows, m), lambda i: (i, 0)),
          pl.BlockSpec((block_rows, m), lambda i: (i, 0)),
      ],
      out_shape=[
          jax.ShapeDtypeStruct((r, m), jnp.float32),
          jax.ShapeDtypeStruct((r, m), jnp.float32),
      ],
  )(x, wl4, wr4)


def _combine_packed(acc, cnt, rpk, bpk, w2l4, w2r4, block_rows):
  _, r, m = acc.shape

  def body(acc_ref, cnt_ref, r_ref, b_ref, wl_ref, wr_ref, p_ref, q_ref,
           inv_ref):
    a = acc_ref[0] + acc_ref[1]
    inv = 1.0 / jnp.maximum(cnt_ref[0] + cnt_ref[1], 1.0)
    inv_ref[...] = inv
    hb = jnp.maximum(a * inv + r_ref[...] + b_ref[...], 0.0)
    p_ref[...] = jnp.dot(hb, wl_ref[...], preferred_element_type=jnp.float32)
    q_ref[...] = jnp.dot(hb, wr_ref[...], preferred_element_type=jnp.float32)

  return pl.pallas_call(
      body,
      grid=(pl.cdiv(r, block_rows),),
      in_specs=[
          pl.BlockSpec((NC, block_rows, m), lambda i: (0, i, 0)),
          pl.BlockSpec((NC, block_rows, m), lambda i: (0, i, 0)),
          pl.BlockSpec((block_rows, m), lambda i: (i, 0)),
          pl.BlockSpec((1, m), lambda i: (0, 0)),
          pl.BlockSpec((m, m), lambda i: (0, 0)),
          pl.BlockSpec((m, m), lambda i: (0, 0)),
      ],
      out_specs=[
          pl.BlockSpec((block_rows, m), lambda i: (i, 0)),
          pl.BlockSpec((block_rows, m), lambda i: (i, 0)),
          pl.BlockSpec((block_rows, m), lambda i: (i, 0)),
      ],
      out_shape=[
          jax.ShapeDtypeStruct((r, m), jnp.float32),
          jax.ShapeDtypeStruct((r, m), jnp.float32),
          jax.ShapeDtypeStruct((r, m), jnp.float32),
      ],
  )(acc, cnt, rpk, bpk, w2l4, w2r4)


def _final_packed(acc, inv, rpk, bpk, n, h, block_rows):
  _, r, m = acc.shape

  def body(acc_ref, inv_ref, r_ref, b_ref, o_ref):
    a = acc_ref[0] + acc_ref[1]
    o_ref[...] = jnp.maximum(a * inv_ref[...] + r_ref[...] + b_ref[...], 0.0)

  return pl.pallas_call(
      body,
      grid=(pl.cdiv(r, block_rows),),
      in_specs=[
          pl.BlockSpec((NC, block_rows, m), lambda i: (0, i, 0)),
          pl.BlockSpec((block_rows, m), lambda i: (i, 0)),
          pl.BlockSpec((block_rows, m), lambda i: (i, 0)),
          pl.BlockSpec((1, m), lambda i: (0, 0)),
      ],
      out_specs=pl.BlockSpec((block_rows, m), lambda i: (i, 0)),
      out_shape=jax.ShapeDtypeStruct((r, m), jnp.float32),
  )(acc, inv, rpk, bpk)


def kernel(x, edge_index, W1_l, W1_r, b1, W2_l, W2_r, b2):
  n, d = x.shape
  h = W1_l.shape[1]
  e = edge_index.shape[1]
  rt = e // CHUNK
  block_rows = 256
  rpk = n // PK

  step = ((n // NS) // 8) * 8
  stripe_rows = n - (NS - 1) * step
  edges = jnp.transpose(edge_index.reshape(2, rt, CHUNK), (1, 0, 2))
  z32 = jnp.zeros((stripe_rows, h), jnp.float32)
  z16 = jnp.zeros((stripe_rows, CW // 2), jnp.float32)
  ones = jnp.ones((CHUNK, CW // 2), jnp.float32)

  eye = jnp.eye(PK, dtype=jnp.float32)
  w1l4 = jnp.kron(eye, W1_l)
  w1r4 = jnp.kron(eye, W1_r)
  w2l4 = jnp.kron(eye, W2_l)
  w2r4 = jnp.kron(eye, W2_r)
  b1pk = jnp.tile(b1, PK).reshape(1, PK * h)
  b2pk = jnp.tile(b2, PK).reshape(1, PK * h)

  sc_pass1 = _make_sc_edge_pass(n, h, rt, do_cnt=True)
  sc_pass2 = _make_sc_edge_pass(n, h, rt, do_cnt=False)

  p1pk, r1pk = _mm_dual_packed(x, w1l4, w1r4, block_rows)
  acc1, cnt = sc_pass1(p1pk.reshape(n, h), z32, z16, ones, edges)
  p2pk, r2pk, invpk = _combine_packed(
      acc1.reshape(NC, rpk, PK * h), cnt.reshape(NC, rpk, PK * h),
      r1pk, b1pk, w2l4, w2r4, block_rows)
  acc2 = sc_pass2(p2pk.reshape(n, h), z32, edges)
  outpk = _final_packed(
      acc2.reshape(NC, rpk, PK * h), invpk, r2pk, b2pk, n, h, block_rows)
  return outpk.reshape(n, h)

# --- scband reference (transcript-rebuilt; emitter-appended) ---
"""Pipeline reference for scband-gnn-2946347565789 (READ-ONLY COPY).

The authoritative reference and input builder live on the scoring server;
editing this copy changes nothing except your own understanding.
"""

import jax, jax.numpy as jnp
import numpy as np

N = 10000
E = 320000
D = 128
H = 32


def setup_inputs(seed: int = 0) -> dict:
    key = jax.random.key(seed)
    ks = jax.random.split(key, 8)
    x = jax.random.normal(ks[0], (N, D), dtype=jnp.float32)
    edge_index = jax.random.randint(ks[1], (2, E), 0, N, dtype=jnp.int32)
    # SAGEConv layer 1: lin_l acts on aggregated neighbors, lin_r on root (self) features
    W1_l = jax.random.normal(ks[2], (D, H), dtype=jnp.float32) * (1.0 / np.sqrt(D))
    W1_r = jax.random.normal(ks[3], (D, H), dtype=jnp.float32) * (1.0 / np.sqrt(D))
    b1 = jnp.zeros((H,), dtype=jnp.float32)
    # SAGEConv layer 2
    W2_l = jax.random.normal(ks[4], (H, H), dtype=jnp.float32) * (1.0 / np.sqrt(H))
    W2_r = jax.random.normal(ks[5], (H, H), dtype=jnp.float32) * (1.0 / np.sqrt(H))
    b2 = jnp.zeros((H,), dtype=jnp.float32)
    return {"x": x, "edge_index": edge_index, "W1_l": W1_l, "W1_r": W1_r, "b1": b1, "W2_l": W2_l, "W2_r": W2_r, "b2": b2}


def _sage_conv(x, edge_index, W_l, W_r, b):
    # PyG SAGEConv with mean aggregation and root weight:
    # out = lin_l(mean_{j in N(i)} x_j) + lin_r(x_i) + bias
    src = edge_index[0]
    dst = edge_index[1]
    msgs = jnp.take(x, src, axis=0)                       # gather  [E, d]
    summed = jax.ops.segment_sum(msgs, dst, num_segments=N)   # scatter-add [N, d]
    cnt = jax.ops.segment_sum(jnp.ones((msgs.shape[0],), dtype=x.dtype), dst, num_segments=N)
    mean = summed / jnp.clip(cnt, 1.0)[:, None]
    return mean @ W_l + x @ W_r + b


def reference(x, edge_index, W1_l, W1_r, b1, W2_l, W2_r, b2):
    h = jax.nn.relu(_sage_conv(x, edge_index, W1_l, W1_r, b1))
    h = jax.nn.relu(_sage_conv(h, edge_index, W2_l, W2_r, b2))
    return h

if __name__ == "__main__":
    import jax
    _d = setup_inputs()
    print(jax.jit(kernel)(*tuple(_d.values())))

</pallas_src>

<mosaic_0001>
#map = affine_map<(d0, d1) -> (0, 0)>
#map1 = affine_map<(d0, d1) -> (0, 0, 0)>
module attributes {stable_mosaic.version = 14 : i64} {
  func.func @body(%arg0: i32, %arg1: i32, %arg2: memref<10000x32xf32, #tpu.memory_space<hbm>>, %arg3: memref<640x32xf32, #tpu.memory_space<hbm>>, %arg4: memref<640x16xf32, #tpu.memory_space<hbm>>, %arg5: memref<128x16xf32, #tpu.memory_space<hbm>>, %arg6: memref<2500x2x128xi32, #tpu.memory_space<hbm>>, %arg7: memref<2x10000x32xf32, #tpu.memory_space<hbm>>, %arg8: memref<2x10000x32xf32, #tpu.memory_space<hbm>>, %arg9: memref<79x128xi32, #tpu.memory_space<vmem>>, %arg10: memref<79x128xi32, #tpu.memory_space<vmem>>, %arg11: memref<128x32xf32, #tpu.memory_space<vmem>>, %arg12: memref<128x32xf32, #tpu.memory_space<vmem>>, %arg13: memref<128x32xf32, #tpu.memory_space<vmem>>, %arg14: memref<128x32xf32, #tpu.memory_space<vmem>>, %arg15: memref<10000x32xf32, #tpu.memory_space<vmem_shared>>, %arg16: memref<10000x32xf32, #tpu.memory_space<vmem_shared>>, %arg17: memref<!tpu.dma_semaphore, #tpu.memory_space<semaphore_mem>>, %arg18: memref<!tpu.dma_semaphore, #tpu.memory_space<semaphore_mem>>, %arg19: memref<!tpu.dma_semaphore, #tpu.memory_space<semaphore_mem>>, %arg20: memref<!tpu.dma_semaphore, #tpu.memory_space<semaphore_mem>>, %arg21: memref<128x16xf32, #tpu.memory_space<vmem>>, %arg22: memref<10000x16xf32, #tpu.memory_space<vmem_shared>>, %arg23: memref<!tpu.dma_semaphore, #tpu.memory_space<semaphore_mem>>, %arg24: memref<640x16xf32, #tpu.memory_space<vmem>>, %arg25: memref<640x32xf32, #tpu.memory_space<vmem>>) attributes {dimension_semantics = [#tpu.dimension_semantics<core_parallel>, #tpu.dimension_semantics<subcore_parallel>], iteration_bounds = array<i64: 2, 16>, scalar_prefetch = 0 : i64, scratch_operands = 17 : i64, tpu.core_type = #tpu.core_type<sc_vector_subcore>, window_params = [{transform_indices = #map}, {transform_indices = #map}, {transform_indices = #map}, {transform_indices = #map}, {transform_indices = #map1}, {transform_indices = #map1}, {transform_indices = #map1}]} {
    %mul3A = arith.constant 2 : i32
    %mul3A_0 = arith.muli %arg1, %mul3A : i32
    %add3A = arith.addi %mul3A_0, %arg0 : i32
    %ge3A = arith.constant 28 : i32
    %ge3A_1 = arith.cmpi sge, %add3A, %ge3A : i32
    %jit3A = arith.constant 1 : i32
    %jit3A_2 = arith.constant 0 : i32
    %select_n3A = arith.select %ge3A_1, %jit3A, %jit3A_2 : i32
    %add3A_3 = arith.constant 78 : i32
    %add3A_4 = arith.addi %add3A_3, %select_n3A : i32
    %mul3A_5 = arith.constant 78 : i32
    %mul3A_6 = arith.muli %mul3A_5, %add3A : i32
    %sub3A = arith.constant 28 : i32
    %sub3A_7 = arith.subi %add3A, %sub3A : i32
    %max3A = arith.constant 0 : i32
    %max3A_8 = arith.maxsi %sub3A_7, %max3A : i32
    %add3A_9 = arith.addi %mul3A_6, %max3A_8 : i32
    %mul3A_10 = arith.constant 624 : i32
    %mul3A_11 = arith.muli %arg1, %mul3A_10 : i32
    %multiple_of3A = tpu.assume_multiple %mul3A_11, 8 : i32
    "tpu.region"() ({
      %run_scoped3A_60 = tpu.sem_alloc : memref<!tpu.dma_semaphore, #tpu.memory_space<semaphore_mem>>
      %dma_start3A_61 = arith.constant 0 : i32
      %dma_start3A_62 = tpu.memref_slice %arg16[%multiple_of3A, %dma_start3A_61] : memref<10000x32xf32, #tpu.memory_space<vmem_shared>> -> memref<640x32xf32, #tpu.memory_space<vmem_shared>>
      %dma_start3A_63 = arith.constant 0 : i32
      %dma_start3A_64 = tpu.memref_slice %arg2[%multiple_of3A, %dma_start3A_63] : memref<10000x32xf32, #tpu.memory_space<hbm>> -> memref<640x32xf32, #tpu.memory_space<hbm>>
      tpu.enqueue_dma source(%dma_start3A_64 : memref<640x32xf32, #tpu.memory_space<hbm>>) target(%dma_start3A_62 : memref<640x32xf32, #tpu.memory_space<vmem_shared>>) target_semaphore(%run_scoped3A_60 : memref<!tpu.dma_semaphore, #tpu.memory_space<semaphore_mem>>)
      %dma_wait3A = arith.constant 0 : i32
      %dma_wait3A_65 = tpu.memref_slice %arg16[%multiple_of3A, %dma_wait3A] : memref<10000x32xf32, #tpu.memory_space<vmem_shared>> -> memref<640x32xf32, #tpu.memory_space<vmem_shared>>
      %dma_wait3A_66 = arith.constant 0 : i32
      %dma_wait3A_67 = tpu.memref_slice %arg2[%multiple_of3A, %dma_wait3A_66] : memref<10000x32xf32, #tpu.memory_space<hbm>> -> memref<640x32xf32, #tpu.memory_space<hbm>>
      tpu.wait_dma2 semaphore(%run_scoped3A_60 : memref<!tpu.dma_semaphore, #tpu.memory_space<semaphore_mem>>) src(%dma_wait3A_67 : memref<640x32xf32, #tpu.memory_space<hbm>>) dst(%dma_wait3A_65 : memref<640x32xf32, #tpu.memory_space<vmem_shared>>)
      tpu.yield
    }) : () -> ()
    "tpu.region"() ({
      %run_scoped3A_60 = tpu.sem_alloc : memref<!tpu.dma_semaphore, #tpu.memory_space<semaphore_mem>>
      %dma_start3A_61 = arith.constant 0 : i32
      %dma_start3A_62 = tpu.memref_slice %arg15[%multiple_of3A, %dma_start3A_61] : memref<10000x32xf32, #tpu.memory_space<vmem_shared>> -> memref<640x32xf32, #tpu.memory_space<vmem_shared>>
      tpu.enqueue_dma source(%arg3 : memref<640x32xf32, #tpu.memory_space<hbm>>) target(%dma_start3A_62 : memref<640x32xf32, #tpu.memory_space<vmem_shared>>) target_semaphore(%run_scoped3A_60 : memref<!tpu.dma_semaphore, #tpu.memory_space<semaphore_mem>>)
      %dma_wait3A = arith.constant 0 : i32
      %dma_wait3A_63 = tpu.memref_slice %arg15[%multiple_of3A, %dma_wait3A] : memref<10000x32xf32, #tpu.memory_space<vmem_shared>> -> memref<640x32xf32, #tpu.memory_space<vmem_shared>>
      tpu.wait_dma2 semaphore(%run_scoped3A_60 : memref<!tpu.dma_semaphore, #tpu.memory_space<semaphore_mem>>) src(%arg3 : memref<640x32xf32, #tpu.memory_space<hbm>>) dst(%dma_wait3A_63 : memref<640x32xf32, #tpu.memory_space<vmem_shared>>)
      tpu.yield
    }) : () -> ()
    "tpu.region"() ({
      %run_scoped3A_60 = tpu.sem_alloc : memref<!tpu.dma_semaphore, #tpu.memory_space<semaphore_mem>>
      %dma_start3A_61 = arith.constant 0 : i32
      %dma_start3A_62 = tpu.memref_slice %arg22[%multiple_of3A, %dma_start3A_61] : memref<10000x16xf32, #tpu.memory_space<vmem_shared>> -> memref<640x16xf32, #tpu.memory_space<vmem_shared>>
      tpu.enqueue_dma source(%arg4 : memref<640x16xf32, #tpu.memory_space<hbm>>) target(%dma_start3A_62 : memref<640x16xf32, #tpu.memory_space<vmem_shared>>) target_semaphore(%run_scoped3A_60 : memref<!tpu.dma_semaphore, #tpu.memory_space<semaphore_mem>>)
      %dma_wait3A = arith.constant 0 : i32
      %dma_wait3A_63 = tpu.memref_slice %arg22[%multiple_of3A, %dma_wait3A] : memref<10000x16xf32, #tpu.memory_space<vmem_shared>> -> memref<640x16xf32, #tpu.memory_space<vmem_shared>>
      tpu.wait_dma2 semaphore(%run_scoped3A_60 : memref<!tpu.dma_semaphore, #tpu.memory_space<semaphore_mem>>) src(%arg4 : memref<640x16xf32, #tpu.memory_space<hbm>>) dst(%dma_wait3A_63 : memref<640x16xf32, #tpu.memory_space<vmem_shared>>)
      tpu.yield
    }) : () -> ()
    "tpu.region"() ({
      %run_scoped3A_60 = tpu.sem_alloc : memref<!tpu.dma_semaphore, #tpu.memory_space<semaphore_mem>>
      tpu.enqueue_dma source(%arg5 : memref<128x16xf32, #tpu.memory_space<hbm>>) target(%arg21 : memref<128x16xf32, #tpu.memory_space<vmem>>) target_semaphore(%run_scoped3A_60 : memref<!tpu.dma_semaphore, #tpu.memory_space<semaphore_mem>>)
      tpu.wait_dma2 semaphore(%run_scoped3A_60 : memref<!tpu.dma_semaphore, #tpu.memory_space<semaphore_mem>>) src(%arg5 : memref<128x16xf32, #tpu.memory_space<hbm>>) dst(%arg21 : memref<128x16xf32, #tpu.memory_space<vmem>>)
      tpu.yield
    }) : () -> ()
    %run_scoped3A = arith.constant 0 : i32
    "tpu.region"() ({
      %run_scoped3A_60 = tpu.sem_alloc : memref<!tpu.dma_semaphore, #tpu.memory_space<semaphore_mem>>
      %dma_start3A_61 = arith.constant 0 : i32
      %dma_start3A_62 = tpu.memref_slice %arg6[%add3A_9, %run_scoped3A, %dma_start3A_61] : memref<2500x2x128xi32, #tpu.memory_space<hbm>> -> memref<79x1x128xi32, #tpu.memory_space<hbm>>
      %dma_start3A_63 = tpu.memref_squeeze %dma_start3A_62 : memref<79x1x128xi32, #tpu.memory_space<hbm>> -> memref<79x128xi32, #tpu.memory_space<hbm>>
      %dma_start3A_64 = arith.constant 0 : i32
      %dma_start3A_65 = tpu.memref_slice %arg6[%add3A_9, %run_scoped3A, %dma_start3A_64] : memref<2500x2x128xi32, #tpu.memory_space<hbm>> -> memref<79x1x128xi32, #tpu.memory_space<hbm>>
      %dma_start3A_66 = tpu.memref_squeeze %dma_start3A_65 : memref<79x1x128xi32, #tpu.memory_space<hbm>> -> memref<79x128xi32, #tpu.memory_space<hbm>>
      tpu.enqueue_dma source(%dma_start3A_66 : memref<79x128xi32, #tpu.memory_space<hbm>>) target(%arg9 : memref<79x128xi32, #tpu.memory_space<vmem>>) target_semaphore(%run_scoped3A_60 : memref<!tpu.dma_semaphore, #tpu.memory_space<semaphore_mem>>)
      %dma_wait3A = arith.constant 0 : i32
      %dma_wait3A_67 = tpu.memref_slice %arg6[%add3A_9, %run_scoped3A, %dma_wait3A] : memref<2500x2x128xi32, #tpu.memory_space<hbm>> -> memref<79x1x128xi32, #tpu.memory_space<hbm>>
      %dma_wait3A_68 = tpu.memref_squeeze %dma_wait3A_67 : memref<79x1x128xi32, #tpu.memory_space<hbm>> -> memref<79x128xi32, #tpu.memory_space<hbm>>
      %dma_wait3A_69 = arith.constant 0 : i32
      %dma_wait3A_70 = tpu.memref_slice %arg6[%add3A_9, %run_scoped3A, %dma_wait3A_69] : memref<2500x2x128xi32, #tpu.memory_space<hbm>> -> memref<79x1x128xi32, #tpu.memory_space<hbm>>
      %dma_wait3A_71 = tpu.memref_squeeze %dma_wait3A_70 : memref<79x1x128xi32, #tpu.memory_space<hbm>> -> memref<79x128xi32, #tpu.memory_space<hbm>>
      tpu.wait_dma2 semaphore(%run_scoped3A_60 : memref<!tpu.dma_semaphore, #tpu.memory_space<semaphore_mem>>) src(%dma_wait3A_71 : memref<79x128xi32, #tpu.memory_space<hbm>>) dst(%arg9 : memref<79x128xi32, #tpu.memory_space<vmem>>)
      tpu.yield
    }) : () -> ()
    %run_scoped3A_12 = arith.constant 1 : i32
    "tpu.region"() ({
      %run_scoped3A_60 = tpu.sem_alloc : memref<!tpu.dma_semaphore, #tpu.memory_space<semaphore_mem>>
      %dma_start3A_61 = arith.constant 0 : i32
      %dma_start3A_62 = tpu.memref_slice %arg6[%add3A_9, %run_scoped3A_12, %dma_start3A_61] : memref<2500x2x128xi32, #tpu.memory_space<hbm>> -> memref<79x1x128xi32, #tpu.memory_space<hbm>>
      %dma_start3A_63 = tpu.memref_squeeze %dma_start3A_62 : memref<79x1x128xi32, #tpu.memory_space<hbm>> -> memref<79x128xi32, #tpu.memory_space<hbm>>
      %dma_start3A_64 = arith.constant 0 : i32
      %dma_start3A_65 = tpu.memref_slice %arg6[%add3A_9, %run_scoped3A_12, %dma_start3A_64] : memref<2500x2x128xi32, #tpu.memory_space<hbm>> -> memref<79x1x128xi32, #tpu.memory_space<hbm>>
      %dma_start3A_66 = tpu.memref_squeeze %dma_start3A_65 : memref<79x1x128xi32, #tpu.memory_space<hbm>> -> memref<79x128xi32, #tpu.memory_space<hbm>>
      tpu.enqueue_dma source(%dma_start3A_66 : memref<79x128xi32, #tpu.memory_space<hbm>>) target(%arg10 : memref<79x128xi32, #tpu.memory_space<vmem>>) target_semaphore(%run_scoped3A_60 : memref<!tpu.dma_semaphore, #tpu.memory_space<semaphore_mem>>)
      %dma_wait3A = arith.constant 0 : i32
      %dma_wait3A_67 = tpu.memref_slice %arg6[%add3A_9, %run_scoped3A_12, %dma_wait3A] : memref<2500x2x128xi32, #tpu.memory_space<hbm>> -> memref<79x1x128xi32, #tpu.memory_space<hbm>>
      %dma_wait3A_68 = tpu.memref_squeeze %dma_wait3A_67 : memref<79x1x128xi32, #tpu.memory_space<hbm>> -> memref<79x128xi32, #tpu.memory_space<hbm>>
      %dma_wait3A_69 = arith.constant 0 : i32
      %dma_wait3A_70 = tpu.memref_slice %arg6[%add3A_9, %run_scoped3A_12, %dma_wait3A_69] : memref<2500x2x128xi32, #tpu.memory_space<hbm>> -> memref<79x1x128xi32, #tpu.memory_space<hbm>>
      %dma_wait3A_71 = tpu.memref_squeeze %dma_wait3A_70 : memref<79x1x128xi32, #tpu.memory_space<hbm>> -> memref<79x128xi32, #tpu.memory_space<hbm>>
      tpu.wait_dma2 semaphore(%run_scoped3A_60 : memref<!tpu.dma_semaphore, #tpu.memory_space<semaphore_mem>>) src(%dma_wait3A_71 : memref<79x128xi32, #tpu.memory_space<hbm>>) dst(%arg10 : memref<79x128xi32, #tpu.memory_space<vmem>>)
      tpu.yield
    }) : () -> ()
    %barrier3A = arith.constant 0 : index
    tpu.barrier barrier_id(%barrier3A)
    %dma_start3A = arith.constant 0 : i32
    %dma_start3A_13 = arith.constant 0 : i32
    %dma_start3A_14 = tpu.memref_slice %arg9[%dma_start3A, %dma_start3A_13] : memref<79x128xi32, #tpu.memory_space<vmem>> -> memref<1x128xi32, #tpu.memory_space<vmem>>
    %dma_start3A_15 = tpu.memref_squeeze %dma_start3A_14 : memref<1x128xi32, #tpu.memory_space<vmem>> -> memref<128xi32, #tpu.memory_space<vmem>>
    %dma_start3A_16 = arith.constant 0 : i32
    %dma_start3A_17 = arith.constant 0 : i32
    %dma_start3A_18 = tpu.memref_slice %arg16[%dma_start3A_16, %dma_start3A_17] : memref<10000x32xf32, #tpu.memory_space<vmem_shared>> -> memref<10000x32xf32, #tpu.memory_space<vmem_shared>>
    tpu.enqueue_indirect_dma source(%dma_start3A_18 : memref<10000x32xf32, #tpu.memory_space<vmem_shared>>) target(%arg11 : memref<128x32xf32, #tpu.memory_space<vmem>>) offsets(%dma_start3A_15 : memref<128xi32, #tpu.memory_space<vmem>>) semaphore(%arg17 : memref<!tpu.dma_semaphore, #tpu.memory_space<semaphore_mem>>)
    %dma_start3A_19 = arith.constant 1 : i32
    %dma_start3A_20 = arith.constant 0 : i32
    %dma_start3A_21 = tpu.memref_slice %arg9[%dma_start3A_19, %dma_start3A_20] : memref<79x128xi32, #tpu.memory_space<vmem>> -> memref<1x128xi32, #tpu.memory_space<vmem>>
    %dma_start3A_22 = tpu.memref_squeeze %dma_start3A_21 : memref<1x128xi32, #tpu.memory_space<vmem>> -> memref<128xi32, #tpu.memory_space<vmem>>
    %dma_start3A_23 = arith.constant 0 : i32
    %dma_start3A_24 = arith.constant 0 : i32
    %dma_start3A_25 = tpu.memref_slice %arg16[%dma_start3A_23, %dma_start3A_24] : memref<10000x32xf32, #tpu.memory_space<vmem_shared>> -> memref<10000x32xf32, #tpu.memory_space<vmem_shared>>
    tpu.enqueue_indirect_dma source(%dma_start3A_25 : memref<10000x32xf32, #tpu.memory_space<vmem_shared>>) target(%arg12 : memref<128x32xf32, #tpu.memory_space<vmem>>) offsets(%dma_start3A_22 : memref<128xi32, #tpu.memory_space<vmem>>) semaphore(%arg18 : memref<!tpu.dma_semaphore, #tpu.memory_space<semaphore_mem>>)
    %dma_start3A_26 = arith.constant 2 : i32
    %dma_start3A_27 = arith.constant 0 : i32
    %dma_start3A_28 = tpu.memref_slice %arg9[%dma_start3A_26, %dma_start3A_27] : memref<79x128xi32, #tpu.memory_space<vmem>> -> memref<1x128xi32, #tpu.memory_space<vmem>>
    %dma_start3A_29 = tpu.memref_squeeze %dma_start3A_28 : memref<1x128xi32, #tpu.memory_space<vmem>> -> memref<128xi32, #tpu.memory_space<vmem>>
    %dma_start3A_30 = arith.constant 0 : i32
    %dma_start3A_31 = arith.constant 0 : i32
    %dma_start3A_32 = tpu.memref_slice %arg16[%dma_start3A_30, %dma_start3A_31] : memref<10000x32xf32, #tpu.memory_space<vmem_shared>> -> memref<10000x32xf32, #tpu.memory_space<vmem_shared>>
    tpu.enqueue_indirect_dma source(%dma_start3A_32 : memref<10000x32xf32, #tpu.memory_space<vmem_shared>>) target(%arg13 : memref<128x32xf32, #tpu.memory_space<vmem>>) offsets(%dma_start3A_29 : memref<128xi32, #tpu.memory_space<vmem>>) semaphore(%arg19 : memref<!tpu.dma_semaphore, #tpu.memory_space<semaphore_mem>>)
    %scan3A = arith.constant 0 : i32
    %scan3A_33 = arith.constant 0 : i32
    %scan3A_34 = arith.constant 19 : i32
    %scan3A_35 = arith.addi %scan3A_33, %scan3A_34 : i32
    %scan3A_36 = arith.constant 1 : i32
    scf.for %scan3A_60 = %scan3A_33 to %scan3A_35 step %scan3A_36  : i32 {
      %mul3A_61 = arith.constant 4 : i32
      %mul3A_62 = arith.muli %mul3A_61, %scan3A_60 : i32
      %add3A_63 = arith.constant 0 : i32
      %add3A_64 = arith.addi %mul3A_62, %add3A_63 : i32
      %add3A_65 = arith.constant 4 : i32
      %add3A_66 = arith.addi %add3A_64, %add3A_65 : i32
      %sub3A_67 = arith.constant 1 : i32
      %sub3A_68 = arith.subi %add3A_66, %sub3A_67 : i32
      %lt3A = arith.constant 76 : i32
      %lt3A_69 = arith.cmpi slt, %sub3A_68, %lt3A : i32
      %convert_element_type3A = arith.extui %lt3A_69 : i1 to i32
      %cond3A = arith.constant 0 : i32
      %cond3A_70 = arith.cmpi ne, %convert_element_type3A, %cond3A : i32
      scf.if %cond3A_70 {
        %add3A_157 = arith.constant 4 : i32
        %add3A_158 = arith.addi %add3A_64, %add3A_157 : i32
        %sub3A_159 = arith.constant 1 : i32
        %sub3A_160 = arith.subi %add3A_158, %sub3A_159 : i32
        %dma_start3A_161 = arith.constant 0 : i32
        %dma_start3A_162 = tpu.memref_slice %arg9[%sub3A_160, %dma_start3A_161] : memref<79x128xi32, #tpu.memory_space<vmem>> -> memref<1x128xi32, #tpu.memory_space<vmem>>
        %dma_start3A_163 = tpu.memref_squeeze %dma_start3A_162 : memref<1x128xi32, #tpu.memory_space<vmem>> -> memref<128xi32, #tpu.memory_space<vmem>>
        %dma_start3A_164 = arith.constant 0 : i32
        %dma_start3A_165 = arith.constant 0 : i32
        %dma_start3A_166 = tpu.memref_slice %arg16[%dma_start3A_164, %dma_start3A_165] : memref<10000x32xf32, #tpu.memory_space<vmem_shared>> -> memref<10000x32xf32, #tpu.memory_space<vmem_shared>>
        tpu.enqueue_indirect_dma source(%dma_start3A_166 : memref<10000x32xf32, #tpu.memory_space<vmem_shared>>) target(%arg14 : memref<128x32xf32, #tpu.memory_space<vmem>>) offsets(%dma_start3A_163 : memref<128xi32, #tpu.memory_space<vmem>>) semaphore(%arg20 : memref<!tpu.dma_semaphore, #tpu.memory_space<semaphore_mem>>)
      } else {
      }
      %dma_wait3A = arith.constant 0 : i32
      %dma_wait3A_71 = tpu.memref_slice %arg9[%add3A_64, %dma_wait3A] : memref<79x128xi32, #tpu.memory_space<vmem>> -> memref<1x128xi32, #tpu.memory_space<vmem>>
      %dma_wait3A_72 = tpu.memref_squeeze %dma_wait3A_71 : memref<1x128xi32, #tpu.memory_space<vmem>> -> memref<128xi32, #tpu.memory_space<vmem>>
      %dma_wait3A_73 = arith.constant 0 : i32
      %dma_wait3A_74 = arith.constant 0 : i32
      %dma_wait3A_75 = tpu.memref_slice %arg16[%dma_wait3A_73, %dma_wait3A_74] : memref<10000x32xf32, #tpu.memory_space<vmem_shared>> -> memref<10000x32xf32, #tpu.memory_space<vmem_shared>>
      tpu.wait_indirect_dma semaphore(%arg17 : memref<!tpu.dma_semaphore, #tpu.memory_space<semaphore_mem>>) src(%dma_wait3A_75 : memref<10000x32xf32, #tpu.memory_space<vmem_shared>>) dst(%arg11 : memref<128x32xf32, #tpu.memory_space<vmem>>)
      "tpu.region"() ({
        %run_scoped3A_157 = tpu.sem_alloc : memref<!tpu.dma_semaphore, #tpu.memory_space<semaphore_mem>>
        %dma_start3A_158 = arith.constant 0 : i32
        %dma_start3A_159 = tpu.memref_slice %arg10[%add3A_64, %dma_start3A_158] : memref<79x128xi32, #tpu.memory_space<vmem>> -> memref<1x128xi32, #tpu.memory_space<vmem>>
        %dma_start3A_160 = tpu.memref_squeeze %dma_start3A_159 : memref<1x128xi32, #tpu.memory_space<vmem>> -> memref<128xi32, #tpu.memory_space<vmem>>
        %dma_start3A_161 = arith.constant 0 : i32
        %dma_start3A_162 = arith.constant 0 : i32
        %dma_start3A_163 = tpu.memref_slice %arg15[%dma_start3A_161, %dma_start3A_162] : memref<10000x32xf32, #tpu.memory_space<vmem_shared>> -> memref<10000x32xf32, #tpu.memory_space<vmem_shared>>
        tpu.enqueue_indirect_dma source(%arg11 : memref<128x32xf32, #tpu.memory_space<vmem>>) target(%dma_start3A_163 : memref<10000x32xf32, #tpu.memory_space<vmem_shared>>) offsets(%dma_start3A_160 : memref<128xi32, #tpu.memory_space<vmem>>) semaphore(%run_scoped3A_157 : memref<!tpu.dma_semaphore, #tpu.memory_space<semaphore_mem>>) {add = true}
        %dma_wait3A_164 = arith.constant 0 : i32
        %dma_wait3A_165 = tpu.memref_slice %arg10[%add3A_64, %dma_wait3A_164] : memref<79x128xi32, #tpu.memory_space<vmem>> -> memref<1x128xi32, #tpu.memory_space<vmem>>
        %dma_wait3A_166 = tpu.memref_squeeze %dma_wait3A_165 : memref<1x128xi32, #tpu.memory_space<vmem>> -> memref<128xi32, #tpu.memory_space<vmem>>
        %dma_wait3A_167 = arith.constant 0 : i32
        %dma_wait3A_168 = arith.constant 0 : i32
        %dma_wait3A_169 = tpu.memref_slice %arg15[%dma_wait3A_167, %dma_wait3A_168] : memref<10000x32xf32, #tpu.memory_space<vmem_shared>> -> memref<10000x32xf32, #tpu.memory_space<vmem_shared>>
        tpu.wait_indirect_dma semaphore(%run_scoped3A_157 : memref<!tpu.dma_semaphore, #tpu.memory_space<semaphore_mem>>) src(%arg11 : memref<128x32xf32, #tpu.memory_space<vmem>>) dst(%dma_wait3A_169 : memref<10000x32xf32, #tpu.memory_space<vmem_shared>>)
        tpu.yield
      }) : () -> ()
      %dma_start3A_76 = arith.constant 0 : i32
      %dma_start3A_77 = tpu.memref_slice %arg10[%add3A_64, %dma_start3A_76] : memref<79x128xi32, #tpu.memory_space<vmem>> -> memref<1x128xi32, #tpu.memory_space<vmem>>
      %dma_start3A_78 = tpu.memref_squeeze %dma_start3A_77 : memref<1x128xi32, #tpu.memory_space<vmem>> -> memref<128xi32, #tpu.memory_space<vmem>>
      %dma_start3A_79 = arith.constant 0 : i32
      %dma_start3A_80 = arith.constant 0 : i32
      %dma_start3A_81 = tpu.memref_slice %arg22[%dma_start3A_79, %dma_start3A_80] : memref<10000x16xf32, #tpu.memory_space<vmem_shared>> -> memref<10000x16xf32, #tpu.memory_space<vmem_shared>>
      tpu.enqueue_indirect_dma source(%arg21 : memref<128x16xf32, #tpu.memory_space<vmem>>) target(%dma_start3A_81 : memref<10000x16xf32, #tpu.memory_space<vmem_shared>>) offsets(%dma_start3A_78 : memref<128xi32, #tpu.memory_space<vmem>>) semaphore(%arg23 : memref<!tpu.dma_semaphore, #tpu.memory_space<semaphore_mem>>) {add = true}
      %mul3A_82 = arith.constant 4 : i32
      %mul3A_83 = arith.muli %mul3A_82, %scan3A_60 : i32
      %add3A_84 = arith.constant 1 : i32
      %add3A_85 = arith.addi %mul3A_83, %add3A_84 : i32
      %add3A_86 = arith.constant 4 : i32
      %add3A_87 = arith.addi %add3A_85, %add3A_86 : i32
      %sub3A_88 = arith.constant 1 : i32
      %sub3A_89 = arith.subi %add3A_87, %sub3A_88 : i32
      %lt3A_90 = arith.constant 76 : i32
      %lt3A_91 = arith.cmpi slt, %sub3A_89, %lt3A_90 : i32
      %convert_element_type3A_92 = arith.extui %lt3A_91 : i1 to i32
      %cond3A_93 = arith.constant 0 : i32
      %cond3A_94 = arith.cmpi ne, %convert_element_type3A_92, %cond3A_93 : i32
      scf.if %cond3A_94 {
        %add3A_157 = arith.constant 4 : i32
        %add3A_158 = arith.addi %add3A_85, %add3A_157 : i32
        %sub3A_159 = arith.constant 1 : i32
        %sub3A_160 = arith.subi %add3A_158, %sub3A_159 : i32
        %dma_start3A_161 = arith.constant 0 : i32
        %dma_start3A_162 = tpu.memref_slice %arg9[%sub3A_160, %dma_start3A_161] : memref<79x128xi32, #tpu.memory_space<vmem>> -> memref<1x128xi32, #tpu.memory_space<vmem>>
        %dma_start3A_163 = tpu.memref_squeeze %dma_start3A_162 : memref<1x128xi32, #tpu.memory_space<vmem>> -> memref<128xi32, #tpu.memory_space<vmem>>
        %dma_start3A_164 = arith.constant 0 : i32
        %dma_start3A_165 = arith.constant 0 : i32
        %dma_start3A_166 = tpu.memref_slice %arg16[%dma_start3A_164, %dma_start3A_165] : memref<10000x32xf32, #tpu.memory_space<vmem_shared>> -> memref<10000x32xf32, #tpu.memory_space<vmem_shared>>
        tpu.enqueue_indirect_dma source(%dma_start3A_166 : memref<10000x32xf32, #tpu.memory_space<vmem_shared>>) target(%arg11 : memref<128x32xf32, #tpu.memory_space<vmem>>) offsets(%dma_start3A_163 : memref<128xi32, #tpu.memory_space<vmem>>) semaphore(%arg17 : memref<!tpu.dma_semaphore, #tpu.memory_space<semaphore_mem>>)
      } else {
      }
      %dma_wait3A_95 = arith.constant 0 : i32
      %dma_wait3A_96 = tpu.memref_slice %arg9[%add3A_85, %dma_wait3A_95] : memref<79x128xi32, #tpu.memory_space<vmem>> -> memref<1x128xi32, #tpu.memory_space<vmem>>
      %dma_wait3A_97 = tpu.memref_squeeze %dma_wait3A_96 : memref<1x128xi32, #tpu.memory_space<vmem>> -> memref<128xi32, #tpu.memory_space<vmem>>
      %dma_wait3A_98 = arith.constant 0 : i32
      %dma_wait3A_99 = arith.constant 0 : i32
      %dma_wait3A_100 = tpu.memref_slice %arg16[%dma_wait3A_98, %dma_wait3A_99] : memref<10000x32xf32, #tpu.memory_space<vmem_shared>> -> memref<10000x32xf32, #tpu.memory_space<vmem_shared>>
      tpu.wait_indirect_dma semaphore(%arg18 : memref<!tpu.dma_semaphore, #tpu.memory_space<semaphore_mem>>) src(%dma_wait3A_100 : memref<10000x32xf32, #tpu.memory_space<vmem_shared>>) dst(%arg12 : memref<128x32xf32, #tpu.memory_space<vmem>>)
      "tpu.region"() ({
        %run_scoped3A_157 = tpu.sem_alloc : memref<!tpu.dma_semaphore, #tpu.memory_space<semaphore_mem>>
        %dma_start3A_158 = arith.constant 0 : i32
        %dma_start3A_159 = tpu.memref_slice %arg10[%add3A_85, %dma_start3A_158] : memref<79x128xi32, #tpu.memory_space<vmem>> -> memref<1x128xi32, #tpu.memory_space<vmem>>
        %dma_start3A_160 = tpu.memref_squeeze %dma_start3A_159 : memref<1x128xi32, #tpu.memory_space<vmem>> -> memref<128xi32, #tpu.memory_space<vmem>>
        %dma_start3A_161 = arith.constant 0 : i32
        %dma_start3A_162 = arith.constant 0 : i32
        %dma_start3A_163 = tpu.memref_slice %arg15[%dma_start3A_161, %dma_start3A_162] : memref<10000x32xf32, #tpu.memory_space<vmem_shared>> -> memref<10000x32xf32, #tpu.memory_space<vmem_shared>>
        tpu.enqueue_indirect_dma source(%arg12 : memref<128x32xf32, #tpu.memory_space<vmem>>) target(%dma_start3A_163 : memref<10000x32xf32, #tpu.memory_space<vmem_shared>>) offsets(%dma_start3A_160 : memref<128xi32, #tpu.memory_space<vmem>>) semaphore(%run_scoped3A_157 : memref<!tpu.dma_semaphore, #tpu.memory_space<semaphore_mem>>) {add = true}
        %dma_wait3A_164 = arith.constant 0 : i32
        %dma_wait3A_165 = tpu.memref_slice %arg10[%add3A_85, %dma_wait3A_164] : memref<79x128xi32, #tpu.memory_space<vmem>> -> memref<1x128xi32, #tpu.memory_space<vmem>>
        %dma_wait3A_166 = tpu.memref_squeeze %dma_wait3A_165 : memref<1x128xi32, #tpu.memory_space<vmem>> -> memref<128xi32, #tpu.memory_space<vmem>>
        %dma_wait3A_167 = arith.constant 0 : i32
        %dma_wait3A_168 = arith.constant 0 : i32
        %dma_wait3A_169 = tpu.memref_slice %arg15[%dma_wait3A_167, %dma_wait3A_168] : memref<10000x32xf32, #tpu.memory_space<vmem_shared>> -> memref<10000x32xf32, #tpu.memory_space<vmem_shared>>
        tpu.wait_indirect_dma semaphore(%run_scoped3A_157 : memref<!tpu.dma_semaphore, #tpu.memory_space<semaphore_mem>>) src(%arg12 : memref<128x32xf32, #tpu.memory_space<vmem>>) dst(%dma_wait3A_169 : memref<10000x32xf32, #tpu.memory_space<vmem_shared>>)
        tpu.yield
      }) : () -> ()
      %dma_start3A_101 = arith.constant 0 : i32
      %dma_start3A_102 = tpu.memref_slice %arg10[%add3A_85, %dma_start3A_101] : memref<79x128xi32, #tpu.memory_space<vmem>> -> memref<1x128xi32, #tpu.memory_space<vmem>>
      %dma_start3A_103 = tpu.memref_squeeze %dma_start3A_102 : memref<1x128xi32, #tpu.memory_space<vmem>> -> memref<128xi32, #tpu.memory_space<vmem>>
      %dma_start3A_104 = arith.constant 0 : i32
      %dma_start3A_105 = arith.constant 0 : i32
      %dma_start3A_106 = tpu.memref_slice %arg22[%dma_start3A_104, %dma_start3A_105] : memref<10000x16xf32, #tpu.memory_space<vmem_shared>> -> memref<10000x16xf32, #tpu.memory_space<vmem_shared>>
      tpu.enqueue_indirect_dma source(%arg21 : memref<128x16xf32, #tpu.memory_space<vmem>>) target(%dma_start3A_106 : memref<10000x16xf32, #tpu.memory_space<vmem_shared>>) offsets(%dma_start3A_103 : memref<128xi32, #tpu.memory_space<vmem>>) semaphore(%arg23 : memref<!tpu.dma_semaphore, #tpu.memory_space<semaphore_mem>>) {add = true}
      %mul3A_107 = arith.constant 4 : i32
      %mul3A_108 = arith.muli %mul3A_107, %scan3A_60 : i32
      %add3A_109 = arith.constant 2 : i32
      %add3A_110 = arith.addi %mul3A_108, %add3A_109 : i32
      %add3A_111 = arith.constant 4 : i32
      %add3A_112 = arith.addi %add3A_110, %add3A_111 : i32
      %sub3A_113 = arith.constant 1 : i32
      %sub3A_114 = arith.subi %add3A_112, %sub3A_113 : i32
      %lt3A_115 = arith.constant 76 : i32
      %lt3A_116 = arith.cmpi slt, %sub3A_114, %lt3A_115 : i32
      %convert_element_type3A_117 = arith.extui %lt3A_116 : i1 to i32
      %cond3A_118 = arith.constant 0 : i32
      %cond3A_119 = arith.cmpi ne, %convert_element_type3A_117, %cond3A_118 : i32
      scf.if %cond3A_119 {
        %add3A_157 = arith.constant 4 : i32
        %add3A_158 = arith.addi %add3A_110, %add3A_157 : i32
        %sub3A_159 = arith.constant 1 : i32
        %sub3A_160 = arith.subi %add3A_158, %sub3A_159 : i32
        %dma_start3A_161 = arith.constant 0 : i32
        %dma_start3A_162 = tpu.memref_slice %arg9[%sub3A_160, %dma_start3A_161] : memref<79x128xi32, #tpu.memory_space<vmem>> -> memref<1x128xi32, #tpu.memory_space<vmem>>
        %dma_start3A_163 = tpu.memref_squeeze %dma_start3A_162 : memref<1x128xi32, #tpu.memory_space<vmem>> -> memref<128xi32, #tpu.memory_space<vmem>>
        %dma_start3A_164 = arith.constant 0 : i32
        %dma_start3A_165 = arith.constant 0 : i32
        %dma_start3A_166 = tpu.memref_slice %arg16[%dma_start3A_164, %dma_start3A_165] : memref<10000x32xf32, #tpu.memory_space<vmem_shared>> -> memref<10000x32xf32, #tpu.memory_space<vmem_shared>>
        tpu.enqueue_indirect_dma source(%dma_start3A_166 : memref<10000x32xf32, #tpu.memory_space<vmem_shared>>) target(%arg12 : memref<128x32xf32, #tpu.memory_space<vmem>>) offsets(%dma_start3A_163 : memref<128xi32, #tpu.memory_space<vmem>>) semaphore(%arg18 : memref<!tpu.dma_semaphore, #tpu.memory_space<semaphore_mem>>)
      } else {
      }
      %dma_wait3A_120 = arith.constant 0 : i32
      %dma_wait3A_121 = tpu.memref_slice %arg9[%add3A_110, %dma_wait3A_120] : memref<79x128xi32, #tpu.memory_space<vmem>> -> memref<1x128xi32, #tpu.memory_space<vmem>>
      %dma_wait3A_122 = tpu.memref_squeeze %dma_wait3A_121 : memref<1x128xi32, #tpu.memory_space<vmem>> -> memref<128xi32, #tpu.memory_space<vmem>>
      %dma_wait3A_123 = arith.constant 0 : i32
      %dma_wait3A_124 = arith.constant 0 : i32
      %dma_wait3A_125 = tpu.memref_slice %arg16[%dma_wait3A_123, %dma_wait3A_124] : memref<10000x32xf32, #tpu.memory_space<vmem_shared>> -> memref<10000x32xf32, #tpu.memory_space<vmem_shared>>
      tpu.wait_indirect_dma semaphore(%arg19 : memref<!tpu.dma_semaphore, #tpu.memory_space<semaphore_mem>>) src(%dma_wait3A_125 : memref<10000x32xf32, #tpu.memory_space<vmem_shared>>) dst(%arg13 : memref<128x32xf32, #tpu.memory_space<vmem>>)
      "tpu.region"() ({
        %run_scoped3A_157 = tpu.sem_alloc : memref<!tpu.dma_semaphore, #tpu.memory_space<semaphore_mem>>
        %dma_start3A_158 = arith.constant 0 : i32
        %dma_start3A_159 = tpu.memref_slice %arg10[%add3A_110, %dma_start3A_158] : memref<79x128xi32, #tpu.memory_space<vmem>> -> memref<1x128xi32, #tpu.memory_space<vmem>>
        %dma_start3A_160 = tpu.memref_squeeze %dma_start3A_159 : memref<1x128xi32, #tpu.memory_space<vmem>> -> memref<128xi32, #tpu.memory_space<vmem>>
        %dma_start3A_161 = arith.constant 0 : i32
        %dma_start3A_162 = arith.constant 0 : i32
        %dma_start3A_163 = tpu.memref_slice %arg15[%dma_start3A_161, %dma_start3A_162] : memref<10000x32xf32, #tpu.memory_space<vmem_shared>> -> memref<10000x32xf32, #tpu.memory_space<vmem_shared>>
        tpu.enqueue_indirect_dma source(%arg13 : memref<128x32xf32, #tpu.memory_space<vmem>>) target(%dma_start3A_163 : memref<10000x32xf32, #tpu.memory_space<vmem_shared>>) offsets(%dma_start3A_160 : memref<128xi32, #tpu.memory_space<vmem>>) semaphore(%run_scoped3A_157 : memref<!tpu.dma_semaphore, #tpu.memory_space<semaphore_mem>>) {add = true}
        %dma_wait3A_164 = arith.constant 0 : i32
        %dma_wait3A_165 = tpu.memref_slice %arg10[%add3A_110, %dma_wait3A_164] : memref<79x128xi32, #tpu.memory_space<vmem>> -> memref<1x128xi32, #tpu.memory_space<vmem>>
        %dma_wait3A_166 = tpu.memref_squeeze %dma_wait3A_165 : memref<1x128xi32, #tpu.memory_space<vmem>> -> memref<128xi32, #tpu.memory_space<vmem>>
        %dma_wait3A_167 = arith.constant 0 : i32
        %dma_wait3A_168 = arith.constant 0 : i32
        %dma_wait3A_169 = tpu.memref_slice %arg15[%dma_wait3A_167, %dma_wait3A_168] : memref<10000x32xf32, #tpu.memory_space<vmem_shared>> -> memref<10000x32xf32, #tpu.memory_space<vmem_shared>>
        tpu.wait_indirect_dma semaphore(%run_scoped3A_157 : memref<!tpu.dma_semaphore, #tpu.memory_space<semaphore_mem>>) src(%arg13 : memref<128x32xf32, #tpu.memory_space<vmem>>) dst(%dma_wait3A_169 : memref<10000x32xf32, #tpu.memory_space<vmem_shared>>)
        tpu.yield
      }) : () -> ()
      %dma_start3A_126 = arith.constant 0 : i32
      %dma_start3A_127 = tpu.memref_slice %arg10[%add3A_110, %dma_start3A_126] : memref<79x128xi32, #tpu.memory_space<vmem>> -> memref<1x128xi32, #tpu.memory_space<vmem>>
      %dma_start3A_128 = tpu.memref_squeeze %dma_start3A_127 : memref<1x128xi32, #tpu.memory_space<vmem>> -> memref<128xi32, #tpu.memory_space<vmem>>
      %dma_start3A_129 = arith.constant 0 : i32
      %dma_start3A_130 = arith.constant 0 : i32
      %dma_start3A_131 = tpu.memref_slice %arg22[%dma_start3A_129, %dma_start3A_130] : memref<10000x16xf32, #tpu.memory_space<vmem_shared>> -> memref<10000x16xf32, #tpu.memory_space<vmem_shared>>
      tpu.enqueue_indirect_dma source(%arg21 : memref<128x16xf32, #tpu.memory_space<vmem>>) target(%dma_start3A_131 : memref<10000x16xf32, #tpu.memory_space<vmem_shared>>) offsets(%dma_start3A_128 : memref<128xi32, #tpu.memory_space<vmem>>) semaphore(%arg23 : memref<!tpu.dma_semaphore, #tpu.memory_space<semaphore_mem>>) {add = true}
      %mul3A_132 = arith.constant 4 : i32
      %mul3A_133 = arith.muli %mul3A_132, %scan3A_60 : i32
      %add3A_134 = arith.constant 3 : i32
      %add3A_135 = arith.addi %mul3A_133, %add3A_134 : i32
      %add3A_136 = arith.constant 4 : i32
      %add3A_137 = arith.addi %add3A_135, %add3A_136 : i32
      %sub3A_138 = arith.constant 1 : i32
      %sub3A_139 = arith.subi %add3A_137, %sub3A_138 : i32
      %lt3A_140 = arith.constant 76 : i32
      %lt3A_141 = arith.cmpi slt, %sub3A_139, %lt3A_140 : i32
      %convert_element_type3A_142 = arith.extui %lt3A_141 : i1 to i32
      %cond3A_143 = arith.constant 0 : i32
      %cond3A_144 = arith.cmpi ne, %convert_element_type3A_142, %cond3A_143 : i32
      scf.if %cond3A_144 {
        %add3A_157 = arith.constant 4 : i32
        %add3A_158 = arith.addi %add3A_135, %add3A_157 : i32
        %sub3A_159 = arith.constant 1 : i32
        %sub3A_160 = arith.subi %add3A_158, %sub3A_159 : i32
        %dma_start3A_161 = arith.constant 0 : i32
        %dma_start3A_162 = tpu.memref_slice %arg9[%sub3A_160, %dma_start3A_161] : memref<79x128xi32, #tpu.memory_space<vmem>> -> memref<1x128xi32, #tpu.memory_space<vmem>>
        %dma_start3A_163 = tpu.memref_squeeze %dma_start3A_162 : memref<1x128xi32, #tpu.memory_space<vmem>> -> memref<128xi32, #tpu.memory_space<vmem>>
        %dma_start3A_164 = arith.constant 0 : i32
        %dma_start3A_165 = arith.constant 0 : i32
        %dma_start3A_166 = tpu.memref_slice %arg16[%dma_start3A_164, %dma_start3A_165] : memref<10000x32xf32, #tpu.memory_space<vmem_shared>> -> memref<10000x32xf32, #tpu.memory_space<vmem_shared>>
        tpu.enqueue_indirect_dma source(%dma_start3A_166 : memref<10000x32xf32, #tpu.memory_space<vmem_shared>>) target(%arg13 : memref<128x32xf32, #tpu.memory_space<vmem>>) offsets(%dma_start3A_163 : memref<128xi32, #tpu.memory_space<vmem>>) semaphore(%arg19 : memref<!tpu.dma_semaphore, #tpu.memory_space<semaphore_mem>>)
      } else {
      }
      %dma_wait3A_145 = arith.constant 0 : i32
      %dma_wait3A_146 = tpu.memref_slice %arg9[%add3A_135, %dma_wait3A_145] : memref<79x128xi32, #tpu.memory_space<vmem>> -> memref<1x128xi32, #tpu.memory_space<vmem>>
      %dma_wait3A_147 = tpu.memref_squeeze %dma_wait3A_146 : memref<1x128xi32, #tpu.memory_space<vmem>> -> memref<128xi32, #tpu.memory_space<vmem>>
      %dma_wait3A_148 = arith.constant 0 : i32
      %dma_wait3A_149 = arith.constant 0 : i32
      %dma_wait3A_150 = tpu.memref_slice %arg16[%dma_wait3A_148, %dma_wait3A_149] : memref<10000x32xf32, #tpu.memory_space<vmem_shared>> -> memref<10000x32xf32, #tpu.memory_space<vmem_shared>>
      tpu.wait_indirect_dma semaphore(%arg20 : memref<!tpu.dma_semaphore, #tpu.memory_space<semaphore_mem>>) src(%dma_wait3A_150 : memref<10000x32xf32, #tpu.memory_space<vmem_shared>>) dst(%arg14 : memref<128x32xf32, #tpu.memory_space<vmem>>)
      "tpu.region"() ({
        %run_scoped3A_157 = tpu.sem_alloc : memref<!tpu.dma_semaphore, #tpu.memory_space<semaphore_mem>>
        %dma_start3A_158 = arith.constant 0 : i32
        %dma_start3A_159 = tpu.memref_slice %arg10[%add3A_135, %dma_start3A_158] : memref<79x128xi32, #tpu.memory_space<vmem>> -> memref<1x128xi32, #tpu.memory_space<vmem>>
        %dma_start3A_160 = tpu.memref_squeeze %dma_start3A_159 : memref<1x128xi32, #tpu.memory_space<vmem>> -> memref<128xi32, #tpu.memory_space<vmem>>
        %dma_start3A_161 = arith.constant 0 : i32
        %dma_start3A_162 = arith.constant 0 : i32
        %dma_start3A_163 = tpu.memref_slice %arg15[%dma_start3A_161, %dma_start3A_162] : memref<10000x32xf32, #tpu.memory_space<vmem_shared>> -> memref<10000x32xf32, #tpu.memory_space<vmem_shared>>
        tpu.enqueue_indirect_dma source(%arg14 : memref<128x32xf32, #tpu.memory_space<vmem>>) target(%dma_start3A_163 : memref<10000x32xf32, #tpu.memory_space<vmem_shared>>) offsets(%dma_start3A_160 : memref<128xi32, #tpu.memory_space<vmem>>) semaphore(%run_scoped3A_157 : memref<!tpu.dma_semaphore, #tpu.memory_space<semaphore_mem>>) {add = true}
        %dma_wait3A_164 = arith.constant 0 : i32
        %dma_wait3A_165 = tpu.memref_slice %arg10[%add3A_135, %dma_wait3A_164] : memref<79x128xi32, #tpu.memory_space<vmem>> -> memref<1x128xi32, #tpu.memory_space<vmem>>
        %dma_wait3A_166 = tpu.memref_squeeze %dma_wait3A_165 : memref<1x128xi32, #tpu.memory_space<vmem>> -> memref<128xi32, #tpu.memory_space<vmem>>
        %dma_wait3A_167 = arith.constant 0 : i32
        %dma_wait3A_168 = arith.constant 0 : i32
        %dma_wait3A_169 = tpu.memref_slice %arg15[%dma_wait3A_167, %dma_wait3A_168] : memref<10000x32xf32, #tpu.memory_space<vmem_shared>> -> memref<10000x32xf32, #tpu.memory_space<vmem_shared>>
        tpu.wait_indirect_dma semaphore(%run_scoped3A_157 : memref<!tpu.dma_semaphore, #tpu.memory_space<semaphore_mem>>) src(%arg14 : memref<128x32xf32, #tpu.memory_space<vmem>>) dst(%dma_wait3A_169 : memref<10000x32xf32, #tpu.memory_space<vmem_shared>>)
        tpu.yield
      }) : () -> ()
      %dma_start3A_151 = arith.constant 0 : i32
      %dma_start3A_152 = tpu.memref_slice %arg10[%add3A_135, %dma_start3A_151] : memref<79x128xi32, #tpu.memory_space<vmem>> -> memref<1x128xi32, #tpu.memory_space<vmem>>
      %dma_start3A_153 = tpu.memref_squeeze %dma_start3A_152 : memref<1x128xi32, #tpu.memory_space<vmem>> -> memref<128xi32, #tpu.memory_space<vmem>>
      %dma_start3A_154 = arith.constant 0 : i32
      %dma_start3A_155 = arith.constant 0 : i32
      %dma_start3A_156 = tpu.memref_slice %arg22[%dma_start3A_154, %dma_start3A_155] : memref<10000x16xf32, #tpu.memory_space<vmem_shared>> -> memref<10000x16xf32, #tpu.memory_space<vmem_shared>>
      tpu.enqueue_indirect_dma source(%arg21 : memref<128x16xf32, #tpu.memory_space<vmem>>) target(%dma_start3A_156 : memref<10000x16xf32, #tpu.memory_space<vmem_shared>>) offsets(%dma_start3A_153 : memref<128xi32, #tpu.memory_space<vmem>>) semaphore(%arg23 : memref<!tpu.dma_semaphore, #tpu.memory_space<semaphore_mem>>) {add = true}
    }
    %scan3A_37 = arith.constant 19 : i32
    %while3A = arith.constant 0 : i32
    %while3A_38 = arith.constant 76 : i32
    %while3A_39 = arith.subi %add3A_4, %while3A_38 : i32
    %while3A_40 = arith.addi %while3A_38, %while3A_39 : i32
    %while3A_41 = arith.constant 1 : i32
    %while3A_42 = arith.divsi %while3A_39, %while3A_41 : i32
    %while3A_43 = arith.muli %while3A_42, %while3A_41 : i32
    %while3A_44 = arith.addi %while3A_38, %while3A_43 : i32
    %while3A_45 = arith.constant 1 : i32
    scf.for %while3A_60 = %while3A_38 to %while3A_44 step %while3A_45  : i32 {
      %dma_start3A_61 = arith.constant 0 : i32
      %dma_start3A_62 = tpu.memref_slice %arg9[%while3A_60, %dma_start3A_61] : memref<79x128xi32, #tpu.memory_space<vmem>> -> memref<1x128xi32, #tpu.memory_space<vmem>>
      %dma_start3A_63 = tpu.memref_squeeze %dma_start3A_62 : memref<1x128xi32, #tpu.memory_space<vmem>> -> memref<128xi32, #tpu.memory_space<vmem>>
      %dma_start3A_64 = arith.constant 0 : i32
      %dma_start3A_65 = arith.constant 0 : i32
      %dma_start3A_66 = tpu.memref_slice %arg16[%dma_start3A_64, %dma_start3A_65] : memref<10000x32xf32, #tpu.memory_space<vmem_shared>> -> memref<10000x32xf32, #tpu.memory_space<vmem_shared>>
      tpu.enqueue_indirect_dma source(%dma_start3A_66 : memref<10000x32xf32, #tpu.memory_space<vmem_shared>>) target(%arg11 : memref<128x32xf32, #tpu.memory_space<vmem>>) offsets(%dma_start3A_63 : memref<128xi32, #tpu.memory_space<vmem>>) semaphore(%arg17 : memref<!tpu.dma_semaphore, #tpu.memory_space<semaphore_mem>>)
      %dma_wait3A = arith.constant 0 : i32
      %dma_wait3A_67 = tpu.memref_slice %arg9[%while3A_60, %dma_wait3A] : memref<79x128xi32, #tpu.memory_space<vmem>> -> memref<1x128xi32, #tpu.memory_space<vmem>>
      %dma_wait3A_68 = tpu.memref_squeeze %dma_wait3A_67 : memref<1x128xi32, #tpu.memory_space<vmem>> -> memref<128xi32, #tpu.memory_space<vmem>>
      %dma_wait3A_69 = arith.constant 0 : i32
      %dma_wait3A_70 = arith.constant 0 : i32
      %dma_wait3A_71 = tpu.memref_slice %arg16[%dma_wait3A_69, %dma_wait3A_70] : memref<10000x32xf32, #tpu.memory_space<vmem_shared>> -> memref<10000x32xf32, #tpu.memory_space<vmem_shared>>
      tpu.wait_indirect_dma semaphore(%arg17 : memref<!tpu.dma_semaphore, #tpu.memory_space<semaphore_mem>>) src(%dma_wait3A_71 : memref<10000x32xf32, #tpu.memory_space<vmem_shared>>) dst(%arg11 : memref<128x32xf32, #tpu.memory_space<vmem>>)
      "tpu.region"() ({
        %run_scoped3A_72 = tpu.sem_alloc : memref<!tpu.dma_semaphore, #tpu.memory_space<semaphore_mem>>
        %dma_start3A_73 = arith.constant 0 : i32
        %dma_start3A_74 = tpu.memref_slice %arg10[%while3A_60, %dma_start3A_73] : memref<79x128xi32, #tpu.memory_space<vmem>> -> memref<1x128xi32, #tpu.memory_space<vmem>>
        %dma_start3A_75 = tpu.memref_squeeze %dma_start3A_74 : memref<1x128xi32, #tpu.memory_space<vmem>> -> memref<128xi32, #tpu.memory_space<vmem>>
        %dma_start3A_76 = arith.constant 0 : i32
        %dma_start3A_77 = arith.constant 0 : i32
        %dma_start3A_78 = tpu.memref_slice %arg15[%dma_start3A_76, %dma_start3A_77] : memref<10000x32xf32, #tpu.memory_space<vmem_shared>> -> memref<10000x32xf32, #tpu.memory_space<vmem_shared>>
        tpu.enqueue_indirect_dma source(%arg11 : memref<128x32xf32, #tpu.memory_space<vmem>>) target(%dma_start3A_78 : memref<10000x32xf32, #tpu.memory_space<vmem_shared>>) offsets(%dma_start3A_75 : memref<128xi32, #tpu.memory_space<vmem>>) semaphore(%run_scoped3A_72 : memref<!tpu.dma_semaphore, #tpu.memory_space<semaphore_mem>>) {add = true}
        %dma_wait3A_79 = arith.constant 0 : i32
        %dma_wait3A_80 = tpu.memref_slice %arg10[%while3A_60, %dma_wait3A_79] : memref<79x128xi32, #tpu.memory_space<vmem>> -> memref<1x128xi32, #tpu.memory_space<vmem>>
        %dma_wait3A_81 = tpu.memref_squeeze %dma_wait3A_80 : memref<1x128xi32, #tpu.memory_space<vmem>> -> memref<128xi32, #tpu.memory_space<vmem>>
        %dma_wait3A_82 = arith.constant 0 : i32
        %dma_wait3A_83 = arith.constant 0 : i32
        %dma_wait3A_84 = tpu.memref_slice %arg15[%dma_wait3A_82, %dma_wait3A_83] : memref<10000x32xf32, #tpu.memory_space<vmem_shared>> -> memref<10000x32xf32, #tpu.memory_space<vmem_shared>>
        tpu.wait_indirect_dma semaphore(%run_scoped3A_72 : memref<!tpu.dma_semaphore, #tpu.memory_space<semaphore_mem>>) src(%arg11 : memref<128x32xf32, #tpu.memory_space<vmem>>) dst(%dma_wait3A_84 : memref<10000x32xf32, #tpu.memory_space<vmem_shared>>)
        tpu.yield
      }) : () -> ()
      "tpu.region"() ({
        %run_scoped3A_72 = tpu.sem_alloc : memref<!tpu.dma_semaphore, #tpu.memory_space<semaphore_mem>>
        %dma_start3A_73 = arith.constant 0 : i32
        %dma_start3A_74 = tpu.memref_slice %arg10[%while3A_60, %dma_start3A_73] : memref<79x128xi32, #tpu.memory_space<vmem>> -> memref<1x128xi32, #tpu.memory_space<vmem>>
        %dma_start3A_75 = tpu.memref_squeeze %dma_start3A_74 : memref<1x128xi32, #tpu.memory_space<vmem>> -> memref<128xi32, #tpu.memory_space<vmem>>
        %dma_start3A_76 = arith.constant 0 : i32
        %dma_start3A_77 = arith.constant 0 : i32
        %dma_start3A_78 = tpu.memref_slice %arg22[%dma_start3A_76, %dma_start3A_77] : memref<10000x16xf32, #tpu.memory_space<vmem_shared>> -> memref<10000x16xf32, #tpu.memory_space<vmem_shared>>
        tpu.enqueue_indirect_dma source(%arg21 : memref<128x16xf32, #tpu.memory_space<vmem>>) target(%dma_start3A_78 : memref<10000x16xf32, #tpu.memory_space<vmem_shared>>) offsets(%dma_start3A_75 : memref<128xi32, #tpu.memory_space<vmem>>) semaphore(%run_scoped3A_72 : memref<!tpu.dma_semaphore, #tpu.memory_space<semaphore_mem>>) {add = true}
        %dma_wait3A_79 = arith.constant 0 : i32
        %dma_wait3A_80 = tpu.memref_slice %arg10[%while3A_60, %dma_wait3A_79] : memref<79x128xi32, #tpu.memory_space<vmem>> -> memref<1x128xi32, #tpu.memory_space<vmem>>
        %dma_wait3A_81 = tpu.memref_squeeze %dma_wait3A_80 : memref<1x128xi32, #tpu.memory_space<vmem>> -> memref<128xi32, #tpu.memory_space<vmem>>
        %dma_wait3A_82 = arith.constant 0 : i32
        %dma_wait3A_83 = arith.constant 0 : i32
        %dma_wait3A_84 = tpu.memref_slice %arg22[%dma_wait3A_82, %dma_wait3A_83] : memref<10000x16xf32, #tpu.memory_space<vmem_shared>> -> memref<10000x16xf32, #tpu.memory_space<vmem_shared>>
        tpu.wait_indirect_dma semaphore(%run_scoped3A_72 : memref<!tpu.dma_semaphore, #tpu.memory_space<semaphore_mem>>) src(%arg21 : memref<128x16xf32, #tpu.memory_space<vmem>>) dst(%dma_wait3A_84 : memref<10000x16xf32, #tpu.memory_space<vmem_shared>>)
        tpu.yield
      }) : () -> ()
    }
    %while3A_46 = arith.constant 1 : i32
    scf.for %while3A_60 = %while3A_44 to %while3A_40 step %while3A_46  : i32 {
      %dma_start3A_61 = arith.constant 0 : i32
      %dma_start3A_62 = tpu.memref_slice %arg9[%while3A_60, %dma_start3A_61] : memref<79x128xi32, #tpu.memory_space<vmem>> -> memref<1x128xi32, #tpu.memory_space<vmem>>
      %dma_start3A_63 = tpu.memref_squeeze %dma_start3A_62 : memref<1x128xi32, #tpu.memory_space<vmem>> -> memref<128xi32, #tpu.memory_space<vmem>>
      %dma_start3A_64 = arith.constant 0 : i32
      %dma_start3A_65 = arith.constant 0 : i32
      %dma_start3A_66 = tpu.memref_slice %arg16[%dma_start3A_64, %dma_start3A_65] : memref<10000x32xf32, #tpu.memory_space<vmem_shared>> -> memref<10000x32xf32, #tpu.memory_space<vmem_shared>>
      tpu.enqueue_indirect_dma source(%dma_start3A_66 : memref<10000x32xf32, #tpu.memory_space<vmem_shared>>) target(%arg11 : memref<128x32xf32, #tpu.memory_space<vmem>>) offsets(%dma_start3A_63 : memref<128xi32, #tpu.memory_space<vmem>>) semaphore(%arg17 : memref<!tpu.dma_semaphore, #tpu.memory_space<semaphore_mem>>)
      %dma_wait3A = arith.constant 0 : i32
      %dma_wait3A_67 = tpu.memref_slice %arg9[%while3A_60, %dma_wait3A] : memref<79x128xi32, #tpu.memory_space<vmem>> -> memref<1x128xi32, #tpu.memory_space<vmem>>
      %dma_wait3A_68 = tpu.memref_squeeze %dma_wait3A_67 : memref<1x128xi32, #tpu.memory_space<vmem>> -> memref<128xi32, #tpu.memory_space<vmem>>
      %dma_wait3A_69 = arith.constant 0 : i32
      %dma_wait3A_70 = arith.constant 0 : i32
      %dma_wait3A_71 = tpu.memref_slice %arg16[%dma_wait3A_69, %dma_wait3A_70] : memref<10000x32xf32, #tpu.memory_space<vmem_shared>> -> memref<10000x32xf32, #tpu.memory_space<vmem_shared>>
      tpu.wait_indirect_dma semaphore(%arg17 : memref<!tpu.dma_semaphore, #tpu.memory_space<semaphore_mem>>) src(%dma_wait3A_71 : memref<10000x32xf32, #tpu.memory_space<vmem_shared>>) dst(%arg11 : memref<128x32xf32, #tpu.memory_space<vmem>>)
      "tpu.region"() ({
        %run_scoped3A_72 = tpu.sem_alloc : memref<!tpu.dma_semaphore, #tpu.memory_space<semaphore_mem>>
        %dma_start3A_73 = arith.constant 0 : i32
        %dma_start3A_74 = tpu.memref_slice %arg10[%while3A_60, %dma_start3A_73] : memref<79x128xi32, #tpu.memory_space<vmem>> -> memref<1x128xi32, #tpu.memory_space<vmem>>
        %dma_start3A_75 = tpu.memref_squeeze %dma_start3A_74 : memref<1x128xi32, #tpu.memory_space<vmem>> -> memref<128xi32, #tpu.memory_space<vmem>>
        %dma_start3A_76 = arith.constant 0 : i32
        %dma_start3A_77 = arith.constant 0 : i32
        %dma_start3A_78 = tpu.memref_slice %arg15[%dma_start3A_76, %dma_start3A_77] : memref<10000x32xf32, #tpu.memory_space<vmem_shared>> -> memref<10000x32xf32, #tpu.memory_space<vmem_shared>>
        tpu.enqueue_indirect_dma source(%arg11 : memref<128x32xf32, #tpu.memory_space<vmem>>) target(%dma_start3A_78 : memref<10000x32xf32, #tpu.memory_space<vmem_shared>>) offsets(%dma_start3A_75 : memref<128xi32, #tpu.memory_space<vmem>>) semaphore(%run_scoped3A_72 : memref<!tpu.dma_semaphore, #tpu.memory_space<semaphore_mem>>) {add = true}
        %dma_wait3A_79 = arith.constant 0 : i32
        %dma_wait3A_80 = tpu.memref_slice %arg10[%while3A_60, %dma_wait3A_79] : memref<79x128xi32, #tpu.memory_space<vmem>> -> memref<1x128xi32, #tpu.memory_space<vmem>>
        %dma_wait3A_81 = tpu.memref_squeeze %dma_wait3A_80 : memref<1x128xi32, #tpu.memory_space<vmem>> -> memref<128xi32, #tpu.memory_space<vmem>>
        %dma_wait3A_82 = arith.constant 0 : i32
        %dma_wait3A_83 = arith.constant 0 : i32
        %dma_wait3A_84 = tpu.memref_slice %arg15[%dma_wait3A_82, %dma_wait3A_83] : memref<10000x32xf32, #tpu.memory_space<vmem_shared>> -> memref<10000x32xf32, #tpu.memory_space<vmem_shared>>
        tpu.wait_indirect_dma semaphore(%run_scoped3A_72 : memref<!tpu.dma_semaphore, #tpu.memory_space<semaphore_mem>>) src(%arg11 : memref<128x32xf32, #tpu.memory_space<vmem>>) dst(%dma_wait3A_84 : memref<10000x32xf32, #tpu.memory_space<vmem_shared>>)
        tpu.yield
      }) : () -> ()
      "tpu.region"() ({
        %run_scoped3A_72 = tpu.sem_alloc : memref<!tpu.dma_semaphore, #tpu.memory_space<semaphore_mem>>
        %dma_start3A_73 = arith.constant 0 : i32
        %dma_start3A_74 = tpu.memref_slice %arg10[%while3A_60, %dma_start3A_73] : memref<79x128xi32, #tpu.memory_space<vmem>> -> memref<1x128xi32, #tpu.memory_space<vmem>>
        %dma_start3A_75 = tpu.memref_squeeze %dma_start3A_74 : memref<1x128xi32, #tpu.memory_space<vmem>> -> memref<128xi32, #tpu.memory_space<vmem>>
        %dma_start3A_76 = arith.constant 0 : i32
        %dma_start3A_77 = arith.constant 0 : i32
        %dma_start3A_78 = tpu.memref_slice %arg22[%dma_start3A_76, %dma_start3A_77] : memref<10000x16xf32, #tpu.memory_space<vmem_shared>> -> memref<10000x16xf32, #tpu.memory_space<vmem_shared>>
        tpu.enqueue_indirect_dma source(%arg21 : memref<128x16xf32, #tpu.memory_space<vmem>>) target(%dma_start3A_78 : memref<10000x16xf32, #tpu.memory_space<vmem_shared>>) offsets(%dma_start3A_75 : memref<128xi32, #tpu.memory_space<vmem>>) semaphore(%run_scoped3A_72 : memref<!tpu.dma_semaphore, #tpu.memory_space<semaphore_mem>>) {add = true}
        %dma_wait3A_79 = arith.constant 0 : i32
        %dma_wait3A_80 = tpu.memref_slice %arg10[%while3A_60, %dma_wait3A_79] : memref<79x128xi32, #tpu.memory_space<vmem>> -> memref<1x128xi32, #tpu.memory_space<vmem>>
        %dma_wait3A_81 = tpu.memref_squeeze %dma_wait3A_80 : memref<1x128xi32, #tpu.memory_space<vmem>> -> memref<128xi32, #tpu.memory_space<vmem>>
        %dma_wait3A_82 = arith.constant 0 : i32
        %dma_wait3A_83 = arith.constant 0 : i32
        %dma_wait3A_84 = tpu.memref_slice %arg22[%dma_wait3A_82, %dma_wait3A_83] : memref<10000x16xf32, #tpu.memory_space<vmem_shared>> -> memref<10000x16xf32, #tpu.memory_space<vmem_shared>>
        tpu.wait_indirect_dma semaphore(%run_scoped3A_72 : memref<!tpu.dma_semaphore, #tpu.memory_space<semaphore_mem>>) src(%arg21 : memref<128x16xf32, #tpu.memory_space<vmem>>) dst(%dma_wait3A_84 : memref<10000x16xf32, #tpu.memory_space<vmem_shared>>)
        tpu.yield
      }) : () -> ()
    }
    %scan3A_47 = arith.constant 0 : i32
    %scan3A_48 = arith.constant 0 : i32
    %scan3A_49 = arith.constant 76 : i32
    %scan3A_50 = arith.addi %scan3A_48, %scan3A_49 : i32
    %scan3A_51 = arith.constant 1 : i32
    scf.for %scan3A_60 = %scan3A_48 to %scan3A_50 step %scan3A_51  : i32 {
      %dma_wait3A = arith.constant 0 : i32
      %dma_wait3A_61 = arith.constant 0 : i32
      %dma_wait3A_62 = tpu.memref_slice %arg10[%dma_wait3A, %dma_wait3A_61] : memref<79x128xi32, #tpu.memory_space<vmem>> -> memref<1x128xi32, #tpu.memory_space<vmem>>
      %dma_wait3A_63 = tpu.memref_squeeze %dma_wait3A_62 : memref<1x128xi32, #tpu.memory_space<vmem>> -> memref<128xi32, #tpu.memory_space<vmem>>
      %dma_wait3A_64 = arith.constant 0 : i32
      %dma_wait3A_65 = arith.constant 0 : i32
      %dma_wait3A_66 = tpu.memref_slice %arg22[%dma_wait3A_64, %dma_wait3A_65] : memref<10000x16xf32, #tpu.memory_space<vmem_shared>> -> memref<10000x16xf32, #tpu.memory_space<vmem_shared>>
      tpu.wait_indirect_dma semaphore(%arg23 : memref<!tpu.dma_semaphore, #tpu.memory_space<semaphore_mem>>) src(%arg21 : memref<128x16xf32, #tpu.memory_space<vmem>>) dst(%dma_wait3A_66 : memref<10000x16xf32, #tpu.memory_space<vmem_shared>>)
    }
    %scan3A_52 = arith.constant 76 : i32
    %barrier3A_53 = arith.constant 0 : index
    tpu.barrier barrier_id(%barrier3A_53)
    "tpu.region"() ({
      %run_scoped3A_60 = tpu.sem_alloc : memref<!tpu.dma_semaphore, #tpu.memory_space<semaphore_mem>>
      %dma_start3A_61 = arith.constant 0 : i32
      %dma_start3A_62 = tpu.memref_slice %arg7[%arg0, %multiple_of3A, %dma_start3A_61] : memref<2x10000x32xf32, #tpu.memory_space<hbm>> -> memref<1x640x32xf32, #tpu.memory_space<hbm>>
      %dma_start3A_63 = tpu.memref_squeeze %dma_start3A_62 : memref<1x640x32xf32, #tpu.memory_space<hbm>> -> memref<640x32xf32, #tpu.memory_space<hbm>>
      %dma_start3A_64 = arith.constant 0 : i32
      %dma_start3A_65 = tpu.memref_slice %arg15[%multiple_of3A, %dma_start3A_64] : memref<10000x32xf32, #tpu.memory_space<vmem_shared>> -> memref<640x32xf32, #tpu.memory_space<vmem_shared>>
      tpu.enqueue_dma source(%dma_start3A_65 : memref<640x32xf32, #tpu.memory_space<vmem_shared>>) target(%dma_start3A_63 : memref<640x32xf32, #tpu.memory_space<hbm>>) target_semaphore(%run_scoped3A_60 : memref<!tpu.dma_semaphore, #tpu.memory_space<semaphore_mem>>)
      %dma_wait3A = arith.constant 0 : i32
      %dma_wait3A_66 = tpu.memref_slice %arg7[%arg0, %multiple_of3A, %dma_wait3A] : memref<2x10000x32xf32, #tpu.memory_space<hbm>> -> memref<1x640x32xf32, #tpu.memory_space<hbm>>
      %dma_wait3A_67 = tpu.memref_squeeze %dma_wait3A_66 : memref<1x640x32xf32, #tpu.memory_space<hbm>> -> memref<640x32xf32, #tpu.memory_space<hbm>>
      %dma_wait3A_68 = arith.constant 0 : i32
      %dma_wait3A_69 = tpu.memref_slice %arg15[%multiple_of3A, %dma_wait3A_68] : memref<10000x32xf32, #tpu.memory_space<vmem_shared>> -> memref<640x32xf32, #tpu.memory_space<vmem_shared>>
      tpu.wait_dma2 semaphore(%run_scoped3A_60 : memref<!tpu.dma_semaphore, #tpu.memory_space<semaphore_mem>>) src(%dma_wait3A_69 : memref<640x32xf32, #tpu.memory_space<vmem_shared>>) dst(%dma_wait3A_67 : memref<640x32xf32, #tpu.memory_space<hbm>>)
      tpu.yield
    }) : () -> ()
    "tpu.region"() ({
      %run_scoped3A_60 = tpu.sem_alloc : memref<!tpu.dma_semaphore, #tpu.memory_space<semaphore_mem>>
      %dma_start3A_61 = arith.constant 0 : i32
      %dma_start3A_62 = tpu.memref_slice %arg22[%multiple_of3A, %dma_start3A_61] : memref<10000x16xf32, #tpu.memory_space<vmem_shared>> -> memref<640x16xf32, #tpu.memory_space<vmem_shared>>
      %dma_start3A_63 = arith.constant 0 : i32
      %dma_start3A_64 = tpu.memref_slice %arg22[%multiple_of3A, %dma_start3A_63] : memref<10000x16xf32, #tpu.memory_space<vmem_shared>> -> memref<640x16xf32, #tpu.memory_space<vmem_shared>>
      tpu.enqueue_dma source(%dma_start3A_64 : memref<640x16xf32, #tpu.memory_space<vmem_shared>>) target(%arg24 : memref<640x16xf32, #tpu.memory_space<vmem>>) target_semaphore(%run_scoped3A_60 : memref<!tpu.dma_semaphore, #tpu.memory_space<semaphore_mem>>)
      %dma_wait3A = arith.constant 0 : i32
      %dma_wait3A_65 = tpu.memref_slice %arg22[%multiple_of3A, %dma_wait3A] : memref<10000x16xf32, #tpu.memory_space<vmem_shared>> -> memref<640x16xf32, #tpu.memory_space<vmem_shared>>
      %dma_wait3A_66 = arith.constant 0 : i32
      %dma_wait3A_67 = tpu.memref_slice %arg22[%multiple_of3A, %dma_wait3A_66] : memref<10000x16xf32, #tpu.memory_space<vmem_shared>> -> memref<640x16xf32, #tpu.memory_space<vmem_shared>>
      tpu.wait_dma2 semaphore(%run_scoped3A_60 : memref<!tpu.dma_semaphore, #tpu.memory_space<semaphore_mem>>) src(%dma_wait3A_67 : memref<640x16xf32, #tpu.memory_space<vmem_shared>>) dst(%arg24 : memref<640x16xf32, #tpu.memory_space<vmem>>)
      tpu.yield
    }) : () -> ()
    %scan3A_54 = arith.constant 0 : i32
    %scan3A_55 = arith.constant 0 : i32
    %scan3A_56 = arith.constant 640 : i32
    %scan3A_57 = arith.addi %scan3A_55, %scan3A_56 : i32
    %scan3A_58 = arith.constant 1 : i32
    scf.for %scan3A_60 = %scan3A_55 to %scan3A_57 step %scan3A_58  : i32 {
      %get3A = arith.index_cast %scan3A_60 : i32 to index
      %get3A_61 = arith.constant 0 : index
      %get3A_62 = tpu.vector_load %arg24[%get3A, %get3A_61] {strides = array<i32>} : memref<640x16xf32, #tpu.memory_space<vmem>>, vector<1x16xf32>,
      %get3A_63 = vector.shape_cast %get3A_62 : vector<1x16xf32> to vector<16xf32>
      %swap3A = arith.index_cast %scan3A_60 : i32 to index
      %swap3A_64 = arith.constant 0 : index
      %swap3A_65 = tpu.vector_load %arg25[%swap3A, %swap3A_64] {strides = array<i32>} : memref<640x32xf32, #tpu.memory_space<vmem>>, vector<1x16xf32>,
      %swap3A_66 = vector.shape_cast %swap3A_65 : vector<1x16xf32> to vector<16xf32>
      %swap3A_67 = vector.shape_cast %get3A_63 : vector<16xf32> to vector<1x16xf32>
      tpu.vector_store %arg25[%swap3A, %swap3A_64], %swap3A_67 {strides = array<i32>} : memref<640x32xf32, #tpu.memory_space<vmem>>, vector<1x16xf32>,
      %swap3A_68 = arith.index_cast %scan3A_60 : i32 to index
      %swap3A_69 = arith.constant 16 : index
      %swap3A_70 = tpu.vector_load %arg25[%swap3A_68, %swap3A_69] {strides = array<i32>} : memref<640x32xf32, #tpu.memory_space<vmem>>, vector<1x16xf32>,
      %swap3A_71 = vector.shape_cast %swap3A_70 : vector<1x16xf32> to vector<16xf32>
      %swap3A_72 = vector.shape_cast %get3A_63 : vector<16xf32> to vector<1x16xf32>
      tpu.vector_store %arg25[%swap3A_68, %swap3A_69], %swap3A_72 {strides = array<i32>} : memref<640x32xf32, #tpu.memory_space<vmem>>, vector<1x16xf32>,
    }
    %scan3A_59 = arith.constant 640 : i32
    "tpu.region"() ({
      %run_scoped3A_60 = tpu.sem_alloc : memref<!tpu.dma_semaphore, #tpu.memory_space<semaphore_mem>>
      %dma_start3A_61 = arith.constant 0 : i32
      %dma_start3A_62 = tpu.memref_slice %arg8[%arg0, %multiple_of3A, %dma_start3A_61] : memref<2x10000x32xf32, #tpu.memory_space<hbm>> -> memref<1x640x32xf32, #tpu.memory_space<hbm>>
      %dma_start3A_63 = tpu.memref_squeeze %dma_start3A_62 : memref<1x640x32xf32, #tpu.memory_space<hbm>> -> memref<640x32xf32, #tpu.memory_space<hbm>>
      %dma_start3A_64 = arith.constant 0 : i32
      %dma_start3A_65 = tpu.memref_slice %arg8[%arg0, %multiple_of3A, %dma_start3A_64] : memref<2x10000x32xf32, #tpu.memory_space<hbm>> -> memref<1x640x32xf32, #tpu.memory_space<hbm>>
      %dma_start3A_66 = tpu.memref_squeeze %dma_start3A_65 : memref<1x640x32xf32, #tpu.memory_space<hbm>> -> memref<640x32xf32, #tpu.memory_space<hbm>>
      tpu.enqueue_dma source(%arg25 : memref<640x32xf32, #tpu.memory_space<vmem>>) target(%dma_start3A_66 : memref<640x32xf32, #tpu.memory_space<hbm>>) target_semaphore(%run_scoped3A_60 : memref<!tpu.dma_semaphore, #tpu.memory_space<semaphore_mem>>)
      %dma_wait3A = arith.constant 0 : i32
      %dma_wait3A_67 = tpu.memref_slice %arg8[%arg0, %multiple_of3A, %dma_wait3A] : memref<2x10000x32xf32, #tpu.memory_space<hbm>> -> memref<1x640x32xf32, #tpu.memory_space<hbm>>
      %dma_wait3A_68 = tpu.memref_squeeze %dma_wait3A_67 : memref<1x640x32xf32, #tpu.memory_space<hbm>> -> memref<640x32xf32, #tpu.memory_space<hbm>>
      %dma_wait3A_69 = arith.constant 0 : i32
      %dma_wait3A_70 = tpu.memref_slice %arg8[%arg0, %multiple_of3A, %dma_wait3A_69] : memref<2x10000x32xf32, #tpu.memory_space<hbm>> -> memref<1x640x32xf32, #tpu.memory_space<hbm>>
      %dma_wait3A_71 = tpu.memref_squeeze %dma_wait3A_70 : memref<1x640x32xf32, #tpu.memory_space<hbm>> -> memref<640x32xf32, #tpu.memory_space<hbm>>
      tpu.wait_dma2 semaphore(%run_scoped3A_60 : memref<!tpu.dma_semaphore, #tpu.memory_space<semaphore_mem>>) src(%arg25 : memref<640x32xf32, #tpu.memory_space<vmem>>) dst(%dma_wait3A_71 : memref<640x32xf32, #tpu.memory_space<hbm>>)
      tpu.yield
    }) : () -> ()
    return
  }
}

#map = affine_map<(d0, d1) -> (0, 0)>
#map1 = affine_map<(d0, d1) -> (0, 0, 0)>
module attributes {stable_mosaic.version = 14 : i64} {
  func.func @body(%arg0: i32, %arg1: i32, %arg2: memref<10000x32xf32, #tpu.memory_space<hbm>>, %arg3: memref<640x32xf32, #tpu.memory_space<hbm>>, %arg4: memref<2500x2x128xi32, #tpu.memory_space<hbm>>, %arg5: memref<2x10000x32xf32, #tpu.memory_space<hbm>>, %arg6: memref<79x128xi32, #tpu.memory_space<vmem>>, %arg7: memref<79x128xi32, #tpu.memory_space<vmem>>, %arg8: memref<128x32xf32, #tpu.memory_space<vmem>>, %arg9: memref<128x32xf32, #tpu.memory_space<vmem>>, %arg10: memref<128x32xf32, #tpu.memory_space<vmem>>, %arg11: memref<128x32xf32, #tpu.memory_space<vmem>>, %arg12: memref<10000x32xf32, #tpu.memory_space<vmem_shared>>, %arg13: memref<10000x32xf32, #tpu.memory_space<vmem_shared>>, %arg14: memref<!tpu.dma_semaphore, #tpu.memory_space<semaphore_mem>>, %arg15: memref<!tpu.dma_semaphore, #tpu.memory_space<semaphore_mem>>, %arg16: memref<!tpu.dma_semaphore, #tpu.memory_space<semaphore_mem>>, %arg17: memref<!tpu.dma_semaphore, #tpu.memory_space<semaphore_mem>>) attributes {dimension_semantics = [#tpu.dimension_semantics<core_parallel>, #tpu.dimension_semantics<subcore_parallel>], iteration_bounds = array<i64: 2, 16>, scalar_prefetch = 0 : i64, scratch_operands = 12 : i64, tpu.core_type = #tpu.core_type<sc_vector_subcore>, window_params = [{transform_indices = #map}, {transform_indices = #map}, {transform_indices = #map1}, {transform_indices = #map1}]} {
    %mul3A = arith.constant 2 : i32
    %mul3A_0 = arith.muli %arg1, %mul3A : i32
    %add3A = arith.addi %mul3A_0, %arg0 : i32
    %ge3A = arith.constant 28 : i32
    %ge3A_1 = arith.cmpi sge, %add3A, %ge3A : i32
    %jit3A = arith.constant 1 : i32
    %jit3A_2 = arith.constant 0 : i32
    %select_n3A = arith.select %ge3A_1, %jit3A, %jit3A_2 : i32
    %add3A_3 = arith.constant 78 : i32
    %add3A_4 = arith.addi %add3A_3, %select_n3A : i32
    %mul3A_5 = arith.constant 78 : i32
    %mul3A_6 = arith.muli %mul3A_5, %add3A : i32
    %sub3A = arith.constant 28 : i32
    %sub3A_7 = arith.subi %add3A, %sub3A : i32
    %max3A = arith.constant 0 : i32
    %max3A_8 = arith.maxsi %sub3A_7, %max3A : i32
    %add3A_9 = arith.addi %mul3A_6, %max3A_8 : i32
    %mul3A_10 = arith.constant 624 : i32
    %mul3A_11 = arith.muli %arg1, %mul3A_10 : i32
    %multiple_of3A = tpu.assume_multiple %mul3A_11, 8 : i32
    "tpu.region"() ({
      %run_scoped3A_48 = tpu.sem_alloc : memref<!tpu.dma_semaphore, #tpu.memory_space<semaphore_mem>>
      %dma_start3A_49 = arith.constant 0 : i32
      %dma_start3A_50 = tpu.memref_slice %arg13[%multiple_of3A, %dma_start3A_49] : memref<10000x32xf32, #tpu.memory_space<vmem_shared>> -> memref<640x32xf32, #tpu.memory_space<vmem_shared>>
      %dma_start3A_51 = arith.constant 0 : i32
      %dma_start3A_52 = tpu.memref_slice %arg2[%multiple_of3A, %dma_start3A_51] : memref<10000x32xf32, #tpu.memory_space<hbm>> -> memref<640x32xf32, #tpu.memory_space<hbm>>
      tpu.enqueue_dma source(%dma_start3A_52 : memref<640x32xf32, #tpu.memory_space<hbm>>) target(%dma_start3A_50 : memref<640x32xf32, #tpu.memory_space<vmem_shared>>) target_semaphore(%run_scoped3A_48 : memref<!tpu.dma_semaphore, #tpu.memory_space<semaphore_mem>>)
      %dma_wait3A = arith.constant 0 : i32
      %dma_wait3A_53 = tpu.memref_slice %arg13[%multiple_of3A, %dma_wait3A] : memref<10000x32xf32, #tpu.memory_space<vmem_shared>> -> memref<640x32xf32, #tpu.memory_space<vmem_shared>>
      %dma_wait3A_54 = arith.constant 0 : i32
      %dma_wait3A_55 = tpu.memref_slice %arg2[%multiple_of3A, %dma_wait3A_54] : memref<10000x32xf32, #tpu.memory_space<hbm>> -> memref<640x32xf32, #tpu.memory_space<hbm>>
      tpu.wait_dma2 semaphore(%run_scoped3A_48 : memref<!tpu.dma_semaphore, #tpu.memory_space<semaphore_mem>>) src(%dma_wait3A_55 : memref<640x32xf32, #tpu.memory_space<hbm>>) dst(%dma_wait3A_53 : memref<640x32xf32, #tpu.memory_space<vmem_shared>>)
      tpu.yield
    }) : () -> ()
    "tpu.region"() ({
      %run_scoped3A_48 = tpu.sem_alloc : memref<!tpu.dma_semaphore, #tpu.memory_space<semaphore_mem>>
      %dma_start3A_49 = arith.constant 0 : i32
      %dma_start3A_50 = tpu.memref_slice %arg12[%multiple_of3A, %dma_start3A_49] : memref<10000x32xf32, #tpu.memory_space<vmem_shared>> -> memref<640x32xf32, #tpu.memory_space<vmem_shared>>
      tpu.enqueue_dma source(%arg3 : memref<640x32xf32, #tpu.memory_space<hbm>>) target(%dma_start3A_50 : memref<640x32xf32, #tpu.memory_space<vmem_shared>>) target_semaphore(%run_scoped3A_48 : memref<!tpu.dma_semaphore, #tpu.memory_space<semaphore_mem>>)
      %dma_wait3A = arith.constant 0 : i32
      %dma_wait3A_51 = tpu.memref_slice %arg12[%multiple_of3A, %dma_wait3A] : memref<10000x32xf32, #tpu.memory_space<vmem_shared>> -> memref<640x32xf32, #tpu.memory_space<vmem_shared>>
      tpu.wait_dma2 semaphore(%run_scoped3A_48 : memref<!tpu.dma_semaphore, #tpu.memory_space<semaphore_mem>>) src(%arg3 : memref<640x32xf32, #tpu.memory_space<hbm>>) dst(%dma_wait3A_51 : memref<640x32xf32, #tpu.memory_space<vmem_shared>>)
      tpu.yield
    }) : () -> ()
    %run_scoped3A = arith.constant 0 : i32
    "tpu.region"() ({
      %run_scoped3A_48 = tpu.sem_alloc : memref<!tpu.dma_semaphore, #tpu.memory_space<semaphore_mem>>
      %dma_start3A_49 = arith.constant 0 : i32
      %dma_start3A_50 = tpu.memref_slice %arg4[%add3A_9, %run_scoped3A, %dma_start3A_49] : memref<2500x2x128xi32, #tpu.memory_space<hbm>> -> memref<79x1x128xi32, #tpu.memory_space<hbm>>
      %dma_start3A_51 = tpu.memref_squeeze %dma_start3A_50 : memref<79x1x128xi32, #tpu.memory_space<hbm>> -> memref<79x128xi32, #tpu.memory_space<hbm>>
      %dma_start3A_52 = arith.constant 0 : i32
      %dma_start3A_53 = tpu.memref_slice %arg4[%add3A_9, %run_scoped3A, %dma_start3A_52] : memref<2500x2x128xi32, #tpu.memory_space<hbm>> -> memref<79x1x128xi32, #tpu.memory_space<hbm>>
      %dma_start3A_54 = tpu.memref_squeeze %dma_start3A_53 : memref<79x1x128xi32, #tpu.memory_space<hbm>> -> memref<79x128xi32, #tpu.memory_space<hbm>>
      tpu.enqueue_dma source(%dma_start3A_54 : memref<79x128xi32, #tpu.memory_space<hbm>>) target(%arg6 : memref<79x128xi32, #tpu.memory_space<vmem>>) target_semaphore(%run_scoped3A_48 : memref<!tpu.dma_semaphore, #tpu.memory_space<semaphore_mem>>)
      %dma_wait3A = arith.constant 0 : i32
      %dma_wait3A_55 = tpu.memref_slice %arg4[%add3A_9, %run_scoped3A, %dma_wait3A] : memref<2500x2x128xi32, #tpu.memory_space<hbm>> -> memref<79x1x128xi32, #tpu.memory_space<hbm>>
      %dma_wait3A_56 = tpu.memref_squeeze %dma_wait3A_55 : memref<79x1x128xi32, #tpu.memory_space<hbm>> -> memref<79x128xi32, #tpu.memory_space<hbm>>
      %dma_wait3A_57 = arith.constant 0 : i32
      %dma_wait3A_58 = tpu.memref_slice %arg4[%add3A_9, %run_scoped3A, %dma_wait3A_57] : memref<2500x2x128xi32, #tpu.memory_space<hbm>> -> memref<79x1x128xi32, #tpu.memory_space<hbm>>
      %dma_wait3A_59 = tpu.memref_squeeze %dma_wait3A_58 : memref<79x1x128xi32, #tpu.memory_space<hbm>> -> memref<79x128xi32, #tpu.memory_space<hbm>>
      tpu.wait_dma2 semaphore(%run_scoped3A_48 : memref<!tpu.dma_semaphore, #tpu.memory_space<semaphore_mem>>) src(%dma_wait3A_59 : memref<79x128xi32, #tpu.memory_space<hbm>>) dst(%arg6 : memref<79x128xi32, #tpu.memory_space<vmem>>)
      tpu.yield
    }) : () -> ()
    %run_scoped3A_12 = arith.constant 1 : i32
    "tpu.region"() ({
      %run_scoped3A_48 = tpu.sem_alloc : memref<!tpu.dma_semaphore, #tpu.memory_space<semaphore_mem>>
      %dma_start3A_49 = arith.constant 0 : i32
      %dma_start3A_50 = tpu.memref_slice %arg4[%add3A_9, %run_scoped3A_12, %dma_start3A_49] : memref<2500x2x128xi32, #tpu.memory_space<hbm>> -> memref<79x1x128xi32, #tpu.memory_space<hbm>>
      %dma_start3A_51 = tpu.memref_squeeze %dma_start3A_50 : memref<79x1x128xi32, #tpu.memory_space<hbm>> -> memref<79x128xi32, #tpu.memory_space<hbm>>
      %dma_start3A_52 = arith.constant 0 : i32
      %dma_start3A_53 = tpu.memref_slice %arg4[%add3A_9, %run_scoped3A_12, %dma_start3A_52] : memref<2500x2x128xi32, #tpu.memory_space<hbm>> -> memref<79x1x128xi32, #tpu.memory_space<hbm>>
      %dma_start3A_54 = tpu.memref_squeeze %dma_start3A_53 : memref<79x1x128xi32, #tpu.memory_space<hbm>> -> memref<79x128xi32, #tpu.memory_space<hbm>>
      tpu.enqueue_dma source(%dma_start3A_54 : memref<79x128xi32, #tpu.memory_space<hbm>>) target(%arg7 : memref<79x128xi32, #tpu.memory_space<vmem>>) target_semaphore(%run_scoped3A_48 : memref<!tpu.dma_semaphore, #tpu.memory_space<semaphore_mem>>)
      %dma_wait3A = arith.constant 0 : i32
      %dma_wait3A_55 = tpu.memref_slice %arg4[%add3A_9, %run_scoped3A_12, %dma_wait3A] : memref<2500x2x128xi32, #tpu.memory_space<hbm>> -> memref<79x1x128xi32, #tpu.memory_space<hbm>>
      %dma_wait3A_56 = tpu.memref_squeeze %dma_wait3A_55 : memref<79x1x128xi32, #tpu.memory_space<hbm>> -> memref<79x128xi32, #tpu.memory_space<hbm>>
      %dma_wait3A_57 = arith.constant 0 : i32
      %dma_wait3A_58 = tpu.memref_slice %arg4[%add3A_9, %run_scoped3A_12, %dma_wait3A_57] : memref<2500x2x128xi32, #tpu.memory_space<hbm>> -> memref<79x1x128xi32, #tpu.memory_space<hbm>>
      %dma_wait3A_59 = tpu.memref_squeeze %dma_wait3A_58 : memref<79x1x128xi32, #tpu.memory_space<hbm>> -> memref<79x128xi32, #tpu.memory_space<hbm>>
      tpu.wait_dma2 semaphore(%run_scoped3A_48 : memref<!tpu.dma_semaphore, #tpu.memory_space<semaphore_mem>>) src(%dma_wait3A_59 : memref<79x128xi32, #tpu.memory_space<hbm>>) dst(%arg7 : memref<79x128xi32, #tpu.memory_space<vmem>>)
      tpu.yield
    }) : () -> ()
    %barrier3A = arith.constant 0 : index
    tpu.barrier barrier_id(%barrier3A)
    %dma_start3A = arith.constant 0 : i32
    %dma_start3A_13 = arith.constant 0 : i32
    %dma_start3A_14 = tpu.memref_slice %arg6[%dma_start3A, %dma_start3A_13] : memref<79x128xi32, #tpu.memory_space<vmem>> -> memref<1x128xi32, #tpu.memory_space<vmem>>
    %dma_start3A_15 = tpu.memref_squeeze %dma_start3A_14 : memref<1x128xi32, #tpu.memory_space<vmem>> -> memref<128xi32, #tpu.memory_space<vmem>>
    %dma_start3A_16 = arith.constant 0 : i32
    %dma_start3A_17 = arith.constant 0 : i32
    %dma_start3A_18 = tpu.memref_slice %arg13[%dma_start3A_16, %dma_start3A_17] : memref<10000x32xf32, #tpu.memory_space<vmem_shared>> -> memref<10000x32xf32, #tpu.memory_space<vmem_shared>>
    tpu.enqueue_indirect_dma source(%dma_start3A_18 : memref<10000x32xf32, #tpu.memory_space<vmem_shared>>) target(%arg8 : memref<128x32xf32, #tpu.memory_space<vmem>>) offsets(%dma_start3A_15 : memref<128xi32, #tpu.memory_space<vmem>>) semaphore(%arg14 : memref<!tpu.dma_semaphore, #tpu.memory_space<semaphore_mem>>)
    %dma_start3A_19 = arith.constant 1 : i32
    %dma_start3A_20 = arith.constant 0 : i32
    %dma_start3A_21 = tpu.memref_slice %arg6[%dma_start3A_19, %dma_start3A_20] : memref<79x128xi32, #tpu.memory_space<vmem>> -> memref<1x128xi32, #tpu.memory_space<vmem>>
    %dma_start3A_22 = tpu.memref_squeeze %dma_start3A_21 : memref<1x128xi32, #tpu.memory_space<vmem>> -> memref<128xi32, #tpu.memory_space<vmem>>
    %dma_start3A_23 = arith.constant 0 : i32
    %dma_start3A_24 = arith.constant 0 : i32
    %dma_start3A_25 = tpu.memref_slice %arg13[%dma_start3A_23, %dma_start3A_24] : memref<10000x32xf32, #tpu.memory_space<vmem_shared>> -> memref<10000x32xf32, #tpu.memory_space<vmem_shared>>
    tpu.enqueue_indirect_dma source(%dma_start3A_25 : memref<10000x32xf32, #tpu.memory_space<vmem_shared>>) target(%arg9 : memref<128x32xf32, #tpu.memory_space<vmem>>) offsets(%dma_start3A_22 : memref<128xi32, #tpu.memory_space<vmem>>) semaphore(%arg15 : memref<!tpu.dma_semaphore, #tpu.memory_space<semaphore_mem>>)
    %dma_start3A_26 = arith.constant 2 : i32
    %dma_start3A_27 = arith.constant 0 : i32
    %dma_start3A_28 = tpu.memref_slice %arg6[%dma_start3A_26, %dma_start3A_27] : memref<79x128xi32, #tpu.memory_space<vmem>> -> memref<1x128xi32, #tpu.memory_space<vmem>>
    %dma_start3A_29 = tpu.memref_squeeze %dma_start3A_28 : memref<1x128xi32, #tpu.memory_space<vmem>> -> memref<128xi32, #tpu.memory_space<vmem>>
    %dma_start3A_30 = arith.constant 0 : i32
    %dma_start3A_31 = arith.constant 0 : i32
    %dma_start3A_32 = tpu.memref_slice %arg13[%dma_start3A_30, %dma_start3A_31] : memref<10000x32xf32, #tpu.memory_space<vmem_shared>> -> memref<10000x32xf32, #tpu.memory_space<vmem_shared>>
    tpu.enqueue_indirect_dma source(%dma_start3A_32 : memref<10000x32xf32, #tpu.memory_space<vmem_shared>>) target(%arg10 : memref<128x32xf32, #tpu.memory_space<vmem>>) offsets(%dma_start3A_29 : memref<128xi32, #tpu.memory_space<vmem>>) semaphore(%arg16 : memref<!tpu.dma_semaphore, #tpu.memory_space<semaphore_mem>>)
    %scan3A = arith.constant 0 : i32
    %scan3A_33 = arith.constant 0 : i32
    %scan3A_34 = arith.constant 19 : i32
    %scan3A_35 = arith.addi %scan3A_33, %scan3A_34 : i32
    %scan3A_36 = arith.constant 1 : i32
    scf.for %scan3A_48 = %scan3A_33 to %scan3A_35 step %scan3A_36  : i32 {
      %mul3A_49 = arith.constant 4 : i32
      %mul3A_50 = arith.muli %mul3A_49, %scan3A_48 : i32
      %add3A_51 = arith.constant 0 : i32
      %add3A_52 = arith.addi %mul3A_50, %add3A_51 : i32
      %add3A_53 = arith.constant 4 : i32
      %add3A_54 = arith.addi %add3A_52, %add3A_53 : i32
      %sub3A_55 = arith.constant 1 : i32
      %sub3A_56 = arith.subi %add3A_54, %sub3A_55 : i32
      %lt3A = arith.constant 76 : i32
      %lt3A_57 = arith.cmpi slt, %sub3A_56, %lt3A : i32
      %convert_element_type3A = arith.extui %lt3A_57 : i1 to i32
      %cond3A = arith.constant 0 : i32
      %cond3A_58 = arith.cmpi ne, %convert_element_type3A, %cond3A : i32
      scf.if %cond3A_58 {
        %add3A_121 = arith.constant 4 : i32
        %add3A_122 = arith.addi %add3A_52, %add3A_121 : i32
        %sub3A_123 = arith.constant 1 : i32
        %sub3A_124 = arith.subi %add3A_122, %sub3A_123 : i32
        %dma_start3A_125 = arith.constant 0 : i32
        %dma_start3A_126 = tpu.memref_slice %arg6[%sub3A_124, %dma_start3A_125] : memref<79x128xi32, #tpu.memory_space<vmem>> -> memref<1x128xi32, #tpu.memory_space<vmem>>
        %dma_start3A_127 = tpu.memref_squeeze %dma_start3A_126 : memref<1x128xi32, #tpu.memory_space<vmem>> -> memref<128xi32, #tpu.memory_space<vmem>>
        %dma_start3A_128 = arith.constant 0 : i32
        %dma_start3A_129 = arith.constant 0 : i32
        %dma_start3A_130 = tpu.memref_slice %arg13[%dma_start3A_128, %dma_start3A_129] : memref<10000x32xf32, #tpu.memory_space<vmem_shared>> -> memref<10000x32xf32, #tpu.memory_space<vmem_shared>>
        tpu.enqueue_indirect_dma source(%dma_start3A_130 : memref<10000x32xf32, #tpu.memory_space<vmem_shared>>) target(%arg11 : memref<128x32xf32, #tpu.memory_space<vmem>>) offsets(%dma_start3A_127 : memref<128xi32, #tpu.memory_space<vmem>>) semaphore(%arg17 : memref<!tpu.dma_semaphore, #tpu.memory_space<semaphore_mem>>)
      } else {
      }
      %dma_wait3A = arith.constant 0 : i32
      %dma_wait3A_59 = tpu.memref_slice %arg6[%add3A_52, %dma_wait3A] : memref<79x128xi32, #tpu.memory_space<vmem>> -> memref<1x128xi32, #tpu.memory_space<vmem>>
      %dma_wait3A_60 = tpu.memref_squeeze %dma_wait3A_59 : memref<1x128xi32, #tpu.memory_space<vmem>> -> memref<128xi32, #tpu.memory_space<vmem>>
      %dma_wait3A_61 = arith.constant 0 : i32
      %dma_wait3A_62 = arith.constant 0 : i32
      %dma_wait3A_63 = tpu.memref_slice %arg13[%dma_wait3A_61, %dma_wait3A_62] : memref<10000x32xf32, #tpu.memory_space<vmem_shared>> -> memref<10000x32xf32, #tpu.memory_space<vmem_shared>>
      tpu.wait_indirect_dma semaphore(%arg14 : memref<!tpu.dma_semaphore, #tpu.memory_space<semaphore_mem>>) src(%dma_wait3A_63 : memref<10000x32xf32, #tpu.memory_space<vmem_shared>>) dst(%arg8 : memref<128x32xf32, #tpu.memory_space<vmem>>)
      "tpu.region"() ({
        %run_scoped3A_121 = tpu.sem_alloc : memref<!tpu.dma_semaphore, #tpu.memory_space<semaphore_mem>>
        %dma_start3A_122 = arith.constant 0 : i32
        %dma_start3A_123 = tpu.memref_slice %arg7[%add3A_52, %dma_start3A_122] : memref<79x128xi32, #tpu.memory_space<vmem>> -> memref<1x128xi32, #tpu.memory_space<vmem>>
        %dma_start3A_124 = tpu.memref_squeeze %dma_start3A_123 : memref<1x128xi32, #tpu.memory_space<vmem>> -> memref<128xi32, #tpu.memory_space<vmem>>
        %dma_start3A_125 = arith.constant 0 : i32
        %dma_start3A_126 = arith.constant 0 : i32
        %dma_start3A_127 = tpu.memref_slice %arg12[%dma_start3A_125, %dma_start3A_126] : memref<10000x32xf32, #tpu.memory_space<vmem_shared>> -> memref<10000x32xf32, #tpu.memory_space<vmem_shared>>
        tpu.enqueue_indirect_dma source(%arg8 : memref<128x32xf32, #tpu.memory_space<vmem>>) target(%dma_start3A_127 : memref<10000x32xf32, #tpu.memory_space<vmem_shared>>) offsets(%dma_start3A_124 : memref<128xi32, #tpu.memory_space<vmem>>) semaphore(%run_scoped3A_121 : memref<!tpu.dma_semaphore, #tpu.memory_space<semaphore_mem>>) {add = true}
        %dma_wait3A_128 = arith.constant 0 : i32
        %dma_wait3A_129 = tpu.memref_slice %arg7[%add3A_52, %dma_wait3A_128] : memref<79x128xi32, #tpu.memory_space<vmem>> -> memref<1x128xi32, #tpu.memory_space<vmem>>
        %dma_wait3A_130 = tpu.memref_squeeze %dma_wait3A_129 : memref<1x128xi32, #tpu.memory_space<vmem>> -> memref<128xi32, #tpu.memory_space<vmem>>
        %dma_wait3A_131 = arith.constant 0 : i32
        %dma_wait3A_132 = arith.constant 0 : i32
        %dma_wait3A_133 = tpu.memref_slice %arg12[%dma_wait3A_131, %dma_wait3A_132] : memref<10000x32xf32, #tpu.memory_space<vmem_shared>> -> memref<10000x32xf32, #tpu.memory_space<vmem_shared>>
        tpu.wait_indirect_dma semaphore(%run_scoped3A_121 : memref<!tpu.dma_semaphore, #tpu.memory_space<semaphore_mem>>) src(%arg8 : memref<128x32xf32, #tpu.memory_space<vmem>>) dst(%dma_wait3A_133 : memref<10000x32xf32, #tpu.memory_space<vmem_shared>>)
        tpu.yield
      }) : () -> ()
      %mul3A_64 = arith.constant 4 : i32
      %mul3A_65 = arith.muli %mul3A_64, %scan3A_48 : i32
      %add3A_66 = arith.constant 1 : i32
      %add3A_67 = arith.addi %mul3A_65, %add3A_66 : i32
      %add3A_68 = arith.constant 4 : i32
      %add3A_69 = arith.addi %add3A_67, %add3A_68 : i32
      %sub3A_70 = arith.constant 1 : i32
      %sub3A_71 = arith.subi %add3A_69, %sub3A_70 : i32
      %lt3A_72 = arith.constant 76 : i32
      %lt3A_73 = arith.cmpi slt, %sub3A_71, %lt3A_72 : i32
      %convert_element_type3A_74 = arith.extui %lt3A_73 : i1 to i32
      %cond3A_75 = arith.constant 0 : i32
      %cond3A_76 = arith.cmpi ne, %convert_element_type3A_74, %cond3A_75 : i32
      scf.if %cond3A_76 {
        %add3A_121 = arith.constant 4 : i32
        %add3A_122 = arith.addi %add3A_67, %add3A_121 : i32
        %sub3A_123 = arith.constant 1 : i32
        %sub3A_124 = arith.subi %add3A_122, %sub3A_123 : i32
        %dma_start3A_125 = arith.constant 0 : i32
        %dma_start3A_126 = tpu.memref_slice %arg6[%sub3A_124, %dma_start3A_125] : memref<79x128xi32, #tpu.memory_space<vmem>> -> memref<1x128xi32, #tpu.memory_space<vmem>>
        %dma_start3A_127 = tpu.memref_squeeze %dma_start3A_126 : memref<1x128xi32, #tpu.memory_space<vmem>> -> memref<128xi32, #tpu.memory_space<vmem>>
        %dma_start3A_128 = arith.constant 0 : i32
        %dma_start3A_129 = arith.constant 0 : i32
        %dma_start3A_130 = tpu.memref_slice %arg13[%dma_start3A_128, %dma_start3A_129] : memref<10000x32xf32, #tpu.memory_space<vmem_shared>> -> memref<10000x32xf32, #tpu.memory_space<vmem_shared>>
        tpu.enqueue_indirect_dma source(%dma_start3A_130 : memref<10000x32xf32, #tpu.memory_space<vmem_shared>>) target(%arg8 : memref<128x32xf32, #tpu.memory_space<vmem>>) offsets(%dma_start3A_127 : memref<128xi32, #tpu.memory_space<vmem>>) semaphore(%arg14 : memref<!tpu.dma_semaphore, #tpu.memory_space<semaphore_mem>>)
      } else {
      }
      %dma_wait3A_77 = arith.constant 0 : i32
      %dma_wait3A_78 = tpu.memref_slice %arg6[%add3A_67, %dma_wait3A_77] : memref<79x128xi32, #tpu.memory_space<vmem>> -> memref<1x128xi32, #tpu.memory_space<vmem>>
      %dma_wait3A_79 = tpu.memref_squeeze %dma_wait3A_78 : memref<1x128xi32, #tpu.memory_space<vmem>> -> memref<128xi32, #tpu.memory_space<vmem>>
      %dma_wait3A_80 = arith.constant 0 : i32
      %dma_wait3A_81 = arith.constant 0 : i32
      %dma_wait3A_82 = tpu.memref_slice %arg13[%dma_wait3A_80, %dma_wait3A_81] : memref<10000x32xf32, #tpu.memory_space<vmem_shared>> -> memref<10000x32xf32, #tpu.memory_space<vmem_shared>>
      tpu.wait_indirect_dma semaphore(%arg15 : memref<!tpu.dma_semaphore, #tpu.memory_space<semaphore_mem>>) src(%dma_wait3A_82 : memref<10000x32xf32, #tpu.memory_space<vmem_shared>>) dst(%arg9 : memref<128x32xf32, #tpu.memory_space<vmem>>)
      "tpu.region"() ({
        %run_scoped3A_121 = tpu.sem_alloc : memref<!tpu.dma_semaphore, #tpu.memory_space<semaphore_mem>>
        %dma_start3A_122 = arith.constant 0 : i32
        %dma_start3A_123 = tpu.memref_slice %arg7[%add3A_67, %dma_start3A_122] : memref<79x128xi32, #tpu.memory_space<vmem>> -> memref<1x128xi32, #tpu.memory_space<vmem>>
        %dma_start3A_124 = tpu.memref_squeeze %dma_start3A_123 : memref<1x128xi32, #tpu.memory_space<vmem>> -> memref<128xi32, #tpu.memory_space<vmem>>
        %dma_start3A_125 = arith.constant 0 : i32
        %dma_start3A_126 = arith.constant 0 : i32
        %dma_start3A_127 = tpu.memref_slice %arg12[%dma_start3A_125, %dma_start3A_126] : memref<10000x32xf32, #tpu.memory_space<vmem_shared>> -> memref<10000x32xf32, #tpu.memory_space<vmem_shared>>
        tpu.enqueue_indirect_dma source(%arg9 : memref<128x32xf32, #tpu.memory_space<vmem>>) target(%dma_start3A_127 : memref<10000x32xf32, #tpu.memory_space<vmem_shared>>) offsets(%dma_start3A_124 : memref<128xi32, #tpu.memory_space<vmem>>) semaphore(%run_scoped3A_121 : memref<!tpu.dma_semaphore, #tpu.memory_space<semaphore_mem>>) {add = true}
        %dma_wait3A_128 = arith.constant 0 : i32
        %dma_wait3A_129 = tpu.memref_slice %arg7[%add3A_67, %dma_wait3A_128] : memref<79x128xi32, #tpu.memory_space<vmem>> -> memref<1x128xi32, #tpu.memory_space<vmem>>
        %dma_wait3A_130 = tpu.memref_squeeze %dma_wait3A_129 : memref<1x128xi32, #tpu.memory_space<vmem>> -> memref<128xi32, #tpu.memory_space<vmem>>
        %dma_wait3A_131 = arith.constant 0 : i32
        %dma_wait3A_132 = arith.constant 0 : i32
        %dma_wait3A_133 = tpu.memref_slice %arg12[%dma_wait3A_131, %dma_wait3A_132] : memref<10000x32xf32, #tpu.memory_space<vmem_shared>> -> memref<10000x32xf32, #tpu.memory_space<vmem_shared>>
        tpu.wait_indirect_dma semaphore(%run_scoped3A_121 : memref<!tpu.dma_semaphore, #tpu.memory_space<semaphore_mem>>) src(%arg9 : memref<128x32xf32, #tpu.memory_space<vmem>>) dst(%dma_wait3A_133 : memref<10000x32xf32, #tpu.memory_space<vmem_shared>>)
        tpu.yield
      }) : () -> ()
      %mul3A_83 = arith.constant 4 : i32
      %mul3A_84 = arith.muli %mul3A_83, %scan3A_48 : i32
      %add3A_85 = arith.constant 2 : i32
      %add3A_86 = arith.addi %mul3A_84, %add3A_85 : i32
      %add3A_87 = arith.constant 4 : i32
      %add3A_88 = arith.addi %add3A_86, %add3A_87 : i32
      %sub3A_89 = arith.constant 1 : i32
      %sub3A_90 = arith.subi %add3A_88, %sub3A_89 : i32
      %lt3A_91 = arith.constant 76 : i32
      %lt3A_92 = arith.cmpi slt, %sub3A_90, %lt3A_91 : i32
      %convert_element_type3A_93 = arith.extui %lt3A_92 : i1 to i32
      %cond3A_94 = arith.constant 0 : i32
      %cond3A_95 = arith.cmpi ne, %convert_element_type3A_93, %cond3A_94 : i32
      scf.if %cond3A_95 {
        %add3A_121 = arith.constant 4 : i32
        %add3A_122 = arith.addi %add3A_86, %add3A_121 : i32
        %sub3A_123 = arith.constant 1 : i32
        %sub3A_124 = arith.subi %add3A_122, %sub3A_123 : i32
        %dma_start3A_125 = arith.constant 0 : i32
        %dma_start3A_126 = tpu.memref_slice %arg6[%sub3A_124, %dma_start3A_125] : memref<79x128xi32, #tpu.memory_space<vmem>> -> memref<1x128xi32, #tpu.memory_space<vmem>>
        %dma_start3A_127 = tpu.memref_squeeze %dma_start3A_126 : memref<1x128xi32, #tpu.memory_space<vmem>> -> memref<128xi32, #tpu.memory_space<vmem>>
        %dma_start3A_128 = arith.constant 0 : i32
        %dma_start3A_129 = arith.constant 0 : i32
        %dma_start3A_130 = tpu.memref_slice %arg13[%dma_start3A_128, %dma_start3A_129] : memref<10000x32xf32, #tpu.memory_space<vmem_shared>> -> memref<10000x32xf32, #tpu.memory_space<vmem_shared>>
        tpu.enqueue_indirect_dma source(%dma_start3A_130 : memref<10000x32xf32, #tpu.memory_space<vmem_shared>>) target(%arg9 : memref<128x32xf32, #tpu.memory_space<vmem>>) offsets(%dma_start3A_127 : memref<128xi32, #tpu.memory_space<vmem>>) semaphore(%arg15 : memref<!tpu.dma_semaphore, #tpu.memory_space<semaphore_mem>>)
      } else {
      }
      %dma_wait3A_96 = arith.constant 0 : i32
      %dma_wait3A_97 = tpu.memref_slice %arg6[%add3A_86, %dma_wait3A_96] : memref<79x128xi32, #tpu.memory_space<vmem>> -> memref<1x128xi32, #tpu.memory_space<vmem>>
      %dma_wait3A_98 = tpu.memref_squeeze %dma_wait3A_97 : memref<1x128xi32, #tpu.memory_space<vmem>> -> memref<128xi32, #tpu.memory_space<vmem>>
      %dma_wait3A_99 = arith.constant 0 : i32
      %dma_wait3A_100 = arith.constant 0 : i32
      %dma_wait3A_101 = tpu.memref_slice %arg13[%dma_wait3A_99, %dma_wait3A_100] : memref<10000x32xf32, #tpu.memory_space<vmem_shared>> -> memref<10000x32xf32, #tpu.memory_space<vmem_shared>>
      tpu.wait_indirect_dma semaphore(%arg16 : memref<!tpu.dma_semaphore, #tpu.memory_space<semaphore_mem>>) src(%dma_wait3A_101 : memref<10000x32xf32, #tpu.memory_space<vmem_shared>>) dst(%arg10 : memref<128x32xf32, #tpu.memory_space<vmem>>)
      "tpu.region"() ({
        %run_scoped3A_121 = tpu.sem_alloc : memref<!tpu.dma_semaphore, #tpu.memory_space<semaphore_mem>>
        %dma_start3A_122 = arith.constant 0 : i32
        %dma_start3A_123 = tpu.memref_slice %arg7[%add3A_86, %dma_start3A_122] : memref<79x128xi32, #tpu.memory_space<vmem>> -> memref<1x128xi32, #tpu.memory_space<vmem>>
        %dma_start3A_124 = tpu.memref_squeeze %dma_start3A_123 : memref<1x128xi32, #tpu.memory_space<vmem>> -> memref<128xi32, #tpu.memory_space<vmem>>
        %dma_start3A_125 = arith.constant 0 : i32
        %dma_start3A_126 = arith.constant 0 : i32
        %dma_start3A_127 = tpu.memref_slice %arg12[%dma_start3A_125, %dma_start3A_126] : memref<10000x32xf32, #tpu.memory_space<vmem_shared>> -> memref<10000x32xf32, #tpu.memory_space<vmem_shared>>
        tpu.enqueue_indirect_dma source(%arg10 : memref<128x32xf32, #tpu.memory_space<vmem>>) target(%dma_start3A_127 : memref<10000x32xf32, #tpu.memory_space<vmem_shared>>) offsets(%dma_start3A_124 : memref<128xi32, #tpu.memory_space<vmem>>) semaphore(%run_scoped3A_121 : memref<!tpu.dma_semaphore, #tpu.memory_space<semaphore_mem>>) {add = true}
        %dma_wait3A_128 = arith.constant 0 : i32
        %dma_wait3A_129 = tpu.memref_slice %arg7[%add3A_86, %dma_wait3A_128] : memref<79x128xi32, #tpu.memory_space<vmem>> -> memref<1x128xi32, #tpu.memory_space<vmem>>
        %dma_wait3A_130 = tpu.memref_squeeze %dma_wait3A_129 : memref<1x128xi32, #tpu.memory_space<vmem>> -> memref<128xi32, #tpu.memory_space<vmem>>
        %dma_wait3A_131 = arith.constant 0 : i32
        %dma_wait3A_132 = arith.constant 0 : i32
        %dma_wait3A_133 = tpu.memref_slice %arg12[%dma_wait3A_131, %dma_wait3A_132] : memref<10000x32xf32, #tpu.memory_space<vmem_shared>> -> memref<10000x32xf32, #tpu.memory_space<vmem_shared>>
        tpu.wait_indirect_dma semaphore(%run_scoped3A_121 : memref<!tpu.dma_semaphore, #tpu.memory_space<semaphore_mem>>) src(%arg10 : memref<128x32xf32, #tpu.memory_space<vmem>>) dst(%dma_wait3A_133 : memref<10000x32xf32, #tpu.memory_space<vmem_shared>>)
        tpu.yield
      }) : () -> ()
      %mul3A_102 = arith.constant 4 : i32
      %mul3A_103 = arith.muli %mul3A_102, %scan3A_48 : i32
      %add3A_104 = arith.constant 3 : i32
      %add3A_105 = arith.addi %mul3A_103, %add3A_104 : i32
      %add3A_106 = arith.constant 4 : i32
      %add3A_107 = arith.addi %add3A_105, %add3A_106 : i32
      %sub3A_108 = arith.constant 1 : i32
      %sub3A_109 = arith.subi %add3A_107, %sub3A_108 : i32
      %lt3A_110 = arith.constant 76 : i32
      %lt3A_111 = arith.cmpi slt, %sub3A_109, %lt3A_110 : i32
      %convert_element_type3A_112 = arith.extui %lt3A_111 : i1 to i32
      %cond3A_113 = arith.constant 0 : i32
      %cond3A_114 = arith.cmpi ne, %convert_element_type3A_112, %cond3A_113 : i32
      scf.if %cond3A_114 {
        %add3A_121 = arith.constant 4 : i32
        %add3A_122 = arith.addi %add3A_105, %add3A_121 : i32
        %sub3A_123 = arith.constant 1 : i32
        %sub3A_124 = arith.subi %add3A_122, %sub3A_123 : i32
        %dma_start3A_125 = arith.constant 0 : i32
        %dma_start3A_126 = tpu.memref_slice %arg6[%sub3A_124, %dma_start3A_125] : memref<79x128xi32, #tpu.memory_space<vmem>> -> memref<1x128xi32, #tpu.memory_space<vmem>>
        %dma_start3A_127 = tpu.memref_squeeze %dma_start3A_126 : memref<1x128xi32, #tpu.memory_space<vmem>> -> memref<128xi32, #tpu.memory_space<vmem>>
        %dma_start3A_128 = arith.constant 0 : i32
        %dma_start3A_129 = arith.constant 0 : i32
        %dma_start3A_130 = tpu.memref_slice %arg13[%dma_start3A_128, %dma_start3A_129] : memref<10000x32xf32, #tpu.memory_space<vmem_shared>> -> memref<10000x32xf32, #tpu.memory_space<vmem_shared>>
        tpu.enqueue_indirect_dma source(%dma_start3A_130 : memref<10000x32xf32, #tpu.memory_space<vmem_shared>>) target(%arg10 : memref<128x32xf32, #tpu.memory_space<vmem>>) offsets(%dma_start3A_127 : memref<128xi32, #tpu.memory_space<vmem>>) semaphore(%arg16 : memref<!tpu.dma_semaphore, #tpu.memory_space<semaphore_mem>>)
      } else {
      }
      %dma_wait3A_115 = arith.constant 0 : i32
      %dma_wait3A_116 = tpu.memref_slice %arg6[%add3A_105, %dma_wait3A_115] : memref<79x128xi32, #tpu.memory_space<vmem>> -> memref<1x128xi32, #tpu.memory_space<vmem>>
      %dma_wait3A_117 = tpu.memref_squeeze %dma_wait3A_116 : memref<1x128xi32, #tpu.memory_space<vmem>> -> memref<128xi32, #tpu.memory_space<vmem>>
      %dma_wait3A_118 = arith.constant 0 : i32
      %dma_wait3A_119 = arith.constant 0 : i32
      %dma_wait3A_120 = tpu.memref_slice %arg13[%dma_wait3A_118, %dma_wait3A_119] : memref<10000x32xf32, #tpu.memory_space<vmem_shared>> -> memref<10000x32xf32, #tpu.memory_space<vmem_shared>>
      tpu.wait_indirect_dma semaphore(%arg17 : memref<!tpu.dma_semaphore, #tpu.memory_space<semaphore_mem>>) src(%dma_wait3A_120 : memref<10000x32xf32, #tpu.memory_space<vmem_shared>>) dst(%arg11 : memref<128x32xf32, #tpu.memory_space<vmem>>)
      "tpu.region"() ({
        %run_scoped3A_121 = tpu.sem_alloc : memref<!tpu.dma_semaphore, #tpu.memory_space<semaphore_mem>>
        %dma_start3A_122 = arith.constant 0 : i32
        %dma_start3A_123 = tpu.memref_slice %arg7[%add3A_105, %dma_start3A_122] : memref<79x128xi32, #tpu.memory_space<vmem>> -> memref<1x128xi32, #tpu.memory_space<vmem>>
        %dma_start3A_124 = tpu.memref_squeeze %dma_start3A_123 : memref<1x128xi32, #tpu.memory_space<vmem>> -> memref<128xi32, #tpu.memory_space<vmem>>
        %dma_start3A_125 = arith.constant 0 : i32
        %dma_start3A_126 = arith.constant 0 : i32
        %dma_start3A_127 = tpu.memref_slice %arg12[%dma_start3A_125, %dma_start3A_126] : memref<10000x32xf32, #tpu.memory_space<vmem_shared>> -> memref<10000x32xf32, #tpu.memory_space<vmem_shared>>
        tpu.enqueue_indirect_dma source(%arg11 : memref<128x32xf32, #tpu.memory_space<vmem>>) target(%dma_start3A_127 : memref<10000x32xf32, #tpu.memory_space<vmem_shared>>) offsets(%dma_start3A_124 : memref<128xi32, #tpu.memory_space<vmem>>) semaphore(%run_scoped3A_121 : memref<!tpu.dma_semaphore, #tpu.memory_space<semaphore_mem>>) {add = true}
        %dma_wait3A_128 = arith.constant 0 : i32
        %dma_wait3A_129 = tpu.memref_slice %arg7[%add3A_105, %dma_wait3A_128] : memref<79x128xi32, #tpu.memory_space<vmem>> -> memref<1x128xi32, #tpu.memory_space<vmem>>
        %dma_wait3A_130 = tpu.memref_squeeze %dma_wait3A_129 : memref<1x128xi32, #tpu.memory_space<vmem>> -> memref<128xi32, #tpu.memory_space<vmem>>
        %dma_wait3A_131 = arith.constant 0 : i32
        %dma_wait3A_132 = arith.constant 0 : i32
        %dma_wait3A_133 = tpu.memref_slice %arg12[%dma_wait3A_131, %dma_wait3A_132] : memref<10000x32xf32, #tpu.memory_space<vmem_shared>> -> memref<10000x32xf32, #tpu.memory_space<vmem_shared>>
        tpu.wait_indirect_dma semaphore(%run_scoped3A_121 : memref<!tpu.dma_semaphore, #tpu.memory_space<semaphore_mem>>) src(%arg11 : memref<128x32xf32, #tpu.memory_space<vmem>>) dst(%dma_wait3A_133 : memref<10000x32xf32, #tpu.memory_space<vmem_shared>>)
        tpu.yield
      }) : () -> ()
    }
    %scan3A_37 = arith.constant 19 : i32
    %while3A = arith.constant 0 : i32
    %while3A_38 = arith.constant 76 : i32
    %while3A_39 = arith.subi %add3A_4, %while3A_38 : i32
    %while3A_40 = arith.addi %while3A_38, %while3A_39 : i32
    %while3A_41 = arith.constant 1 : i32
    %while3A_42 = arith.divsi %while3A_39, %while3A_41 : i32
    %while3A_43 = arith.muli %while3A_42, %while3A_41 : i32
    %while3A_44 = arith.addi %while3A_38, %while3A_43 : i32
    %while3A_45 = arith.constant 1 : i32
    scf.for %while3A_48 = %while3A_38 to %while3A_44 step %while3A_45  : i32 {
      %dma_start3A_49 = arith.constant 0 : i32
      %dma_start3A_50 = tpu.memref_slice %arg6[%while3A_48, %dma_start3A_49] : memref<79x128xi32, #tpu.memory_space<vmem>> -> memref<1x128xi32, #tpu.memory_space<vmem>>
      %dma_start3A_51 = tpu.memref_squeeze %dma_start3A_50 : memref<1x128xi32, #tpu.memory_space<vmem>> -> memref<128xi32, #tpu.memory_space<vmem>>
      %dma_start3A_52 = arith.constant 0 : i32
      %dma_start3A_53 = arith.constant 0 : i32
      %dma_start3A_54 = tpu.memref_slice %arg13[%dma_start3A_52, %dma_start3A_53] : memref<10000x32xf32, #tpu.memory_space<vmem_shared>> -> memref<10000x32xf32, #tpu.memory_space<vmem_shared>>
      tpu.enqueue_indirect_dma source(%dma_start3A_54 : memref<10000x32xf32, #tpu.memory_space<vmem_shared>>) target(%arg8 : memref<128x32xf32, #tpu.memory_space<vmem>>) offsets(%dma_start3A_51 : memref<128xi32, #tpu.memory_space<vmem>>) semaphore(%arg14 : memref<!tpu.dma_semaphore, #tpu.memory_space<semaphore_mem>>)
      %dma_wait3A = arith.constant 0 : i32
      %dma_wait3A_55 = tpu.memref_slice %arg6[%while3A_48, %dma_wait3A] : memref<79x128xi32, #tpu.memory_space<vmem>> -> memref<1x128xi32, #tpu.memory_space<vmem>>
      %dma_wait3A_56 = tpu.memref_squeeze %dma_wait3A_55 : memref<1x128xi32, #tpu.memory_space<vmem>> -> memref<128xi32, #tpu.memory_space<vmem>>
      %dma_wait3A_57 = arith.constant 0 : i32
      %dma_wait3A_58 = arith.constant 0 : i32
      %dma_wait3A_59 = tpu.memref_slice %arg13[%dma_wait3A_57, %dma_wait3A_58] : memref<10000x32xf32, #tpu.memory_space<vmem_shared>> -> memref<10000x32xf32, #tpu.memory_space<vmem_shared>>
      tpu.wait_indirect_dma semaphore(%arg14 : memref<!tpu.dma_semaphore, #tpu.memory_space<semaphore_mem>>) src(%dma_wait3A_59 : memref<10000x32xf32, #tpu.memory_space<vmem_shared>>) dst(%arg8 : memref<128x32xf32, #tpu.memory_space<vmem>>)
      "tpu.region"() ({
        %run_scoped3A_60 = tpu.sem_alloc : memref<!tpu.dma_semaphore, #tpu.memory_space<semaphore_mem>>
        %dma_start3A_61 = arith.constant 0 : i32
        %dma_start3A_62 = tpu.memref_slice %arg7[%while3A_48, %dma_start3A_61] : memref<79x128xi32, #tpu.memory_space<vmem>> -> memref<1x128xi32, #tpu.memory_space<vmem>>
        %dma_start3A_63 = tpu.memref_squeeze %dma_start3A_62 : memref<1x128xi32, #tpu.memory_space<vmem>> -> memref<128xi32, #tpu.memory_space<vmem>>
        %dma_start3A_64 = arith.constant 0 : i32
        %dma_start3A_65 = arith.constant 0 : i32
        %dma_start3A_66 = tpu.memref_slice %arg12[%dma_start3A_64, %dma_start3A_65] : memref<10000x32xf32, #tpu.memory_space<vmem_shared>> -> memref<10000x32xf32, #tpu.memory_space<vmem_shared>>
        tpu.enqueue_indirect_dma source(%arg8 : memref<128x32xf32, #tpu.memory_space<vmem>>) target(%dma_start3A_66 : memref<10000x32xf32, #tpu.memory_space<vmem_shared>>) offsets(%dma_start3A_63 : memref<128xi32, #tpu.memory_space<vmem>>) semaphore(%run_scoped3A_60 : memref<!tpu.dma_semaphore, #tpu.memory_space<semaphore_mem>>) {add = true}
        %dma_wait3A_67 = arith.constant 0 : i32
        %dma_wait3A_68 = tpu.memref_slice %arg7[%while3A_48, %dma_wait3A_67] : memref<79x128xi32, #tpu.memory_space<vmem>> -> memref<1x128xi32, #tpu.memory_space<vmem>>
        %dma_wait3A_69 = tpu.memref_squeeze %dma_wait3A_68 : memref<1x128xi32, #tpu.memory_space<vmem>> -> memref<128xi32, #tpu.memory_space<vmem>>
        %dma_wait3A_70 = arith.constant 0 : i32
        %dma_wait3A_71 = arith.constant 0 : i32
        %dma_wait3A_72 = tpu.memref_slice %arg12[%dma_wait3A_70, %dma_wait3A_71] : memref<10000x32xf32, #tpu.memory_space<vmem_shared>> -> memref<10000x32xf32, #tpu.memory_space<vmem_shared>>
        tpu.wait_indirect_dma semaphore(%run_scoped3A_60 : memref<!tpu.dma_semaphore, #tpu.memory_space<semaphore_mem>>) src(%arg8 : memref<128x32xf32, #tpu.memory_space<vmem>>) dst(%dma_wait3A_72 : memref<10000x32xf32, #tpu.memory_space<vmem_shared>>)
        tpu.yield
      }) : () -> ()
    }
    %while3A_46 = arith.constant 1 : i32
    scf.for %while3A_48 = %while3A_44 to %while3A_40 step %while3A_46  : i32 {
      %dma_start3A_49 = arith.constant 0 : i32
      %dma_start3A_50 = tpu.memref_slice %arg6[%while3A_48, %dma_start3A_49] : memref<79x128xi32, #tpu.memory_space<vmem>> -> memref<1x128xi32, #tpu.memory_space<vmem>>
      %dma_start3A_51 = tpu.memref_squeeze %dma_start3A_50 : memref<1x128xi32, #tpu.memory_space<vmem>> -> memref<128xi32, #tpu.memory_space<vmem>>
      %dma_start3A_52 = arith.constant 0 : i32
      %dma_start3A_53 = arith.constant 0 : i32
      %dma_start3A_54 = tpu.memref_slice %arg13[%dma_start3A_52, %dma_start3A_53] : memref<10000x32xf32, #tpu.memory_space<vmem_shared>> -> memref<10000x32xf32, #tpu.memory_space<vmem_shared>>
      tpu.enqueue_indirect_dma source(%dma_start3A_54 : memref<10000x32xf32, #tpu.memory_space<vmem_shared>>) target(%arg8 : memref<128x32xf32, #tpu.memory_space<vmem>>) offsets(%dma_start3A_51 : memref<128xi32, #tpu.memory_space<vmem>>) semaphore(%arg14 : memref<!tpu.dma_semaphore, #tpu.memory_space<semaphore_mem>>)
      %dma_wait3A = arith.constant 0 : i32
      %dma_wait3A_55 = tpu.memref_slice %arg6[%while3A_48, %dma_wait3A] : memref<79x128xi32, #tpu.memory_space<vmem>> -> memref<1x128xi32, #tpu.memory_space<vmem>>
      %dma_wait3A_56 = tpu.memref_squeeze %dma_wait3A_55 : memref<1x128xi32, #tpu.memory_space<vmem>> -> memref<128xi32, #tpu.memory_space<vmem>>
      %dma_wait3A_57 = arith.constant 0 : i32
      %dma_wait3A_58 = arith.constant 0 : i32
      %dma_wait3A_59 = tpu.memref_slice %arg13[%dma_wait3A_57, %dma_wait3A_58] : memref<10000x32xf32, #tpu.memory_space<vmem_shared>> -> memref<10000x32xf32, #tpu.memory_space<vmem_shared>>
      tpu.wait_indirect_dma semaphore(%arg14 : memref<!tpu.dma_semaphore, #tpu.memory_space<semaphore_mem>>) src(%dma_wait3A_59 : memref<10000x32xf32, #tpu.memory_space<vmem_shared>>) dst(%arg8 : memref<128x32xf32, #tpu.memory_space<vmem>>)
      "tpu.region"() ({
        %run_scoped3A_60 = tpu.sem_alloc : memref<!tpu.dma_semaphore, #tpu.memory_space<semaphore_mem>>
        %dma_start3A_61 = arith.constant 0 : i32
        %dma_start3A_62 = tpu.memref_slice %arg7[%while3A_48, %dma_start3A_61] : memref<79x128xi32, #tpu.memory_space<vmem>> -> memref<1x128xi32, #tpu.memory_space<vmem>>
        %dma_start3A_63 = tpu.memref_squeeze %dma_start3A_62 : memref<1x128xi32, #tpu.memory_space<vmem>> -> memref<128xi32, #tpu.memory_space<vmem>>
        %dma_start3A_64 = arith.constant 0 : i32
        %dma_start3A_65 = arith.constant 0 : i32
        %dma_start3A_66 = tpu.memref_slice %arg12[%dma_start3A_64, %dma_start3A_65] : memref<10000x32xf32, #tpu.memory_space<vmem_shared>> -> memref<10000x32xf32, #tpu.memory_space<vmem_shared>>
        tpu.enqueue_indirect_dma source(%arg8 : memref<128x32xf32, #tpu.memory_space<vmem>>) target(%dma_start3A_66 : memref<10000x32xf32, #tpu.memory_space<vmem_shared>>) offsets(%dma_start3A_63 : memref<128xi32, #tpu.memory_space<vmem>>) semaphore(%run_scoped3A_60 : memref<!tpu.dma_semaphore, #tpu.memory_space<semaphore_mem>>) {add = true}
        %dma_wait3A_67 = arith.constant 0 : i32
        %dma_wait3A_68 = tpu.memref_slice %arg7[%while3A_48, %dma_wait3A_67] : memref<79x128xi32, #tpu.memory_space<vmem>> -> memref<1x128xi32, #tpu.memory_space<vmem>>
        %dma_wait3A_69 = tpu.memref_squeeze %dma_wait3A_68 : memref<1x128xi32, #tpu.memory_space<vmem>> -> memref<128xi32, #tpu.memory_space<vmem>>
        %dma_wait3A_70 = arith.constant 0 : i32
        %dma_wait3A_71 = arith.constant 0 : i32
        %dma_wait3A_72 = tpu.memref_slice %arg12[%dma_wait3A_70, %dma_wait3A_71] : memref<10000x32xf32, #tpu.memory_space<vmem_shared>> -> memref<10000x32xf32, #tpu.memory_space<vmem_shared>>
        tpu.wait_indirect_dma semaphore(%run_scoped3A_60 : memref<!tpu.dma_semaphore, #tpu.memory_space<semaphore_mem>>) src(%arg8 : memref<128x32xf32, #tpu.memory_space<vmem>>) dst(%dma_wait3A_72 : memref<10000x32xf32, #tpu.memory_space<vmem_shared>>)
        tpu.yield
      }) : () -> ()
    }
    %barrier3A_47 = arith.constant 0 : index
    tpu.barrier barrier_id(%barrier3A_47)
    "tpu.region"() ({
      %run_scoped3A_48 = tpu.sem_alloc : memref<!tpu.dma_semaphore, #tpu.memory_space<semaphore_mem>>
      %dma_start3A_49 = arith.constant 0 : i32
      %dma_start3A_50 = tpu.memref_slice %arg5[%arg0, %multiple_of3A, %dma_start3A_49] : memref<2x10000x32xf32, #tpu.memory_space<hbm>> -> memref<1x640x32xf32, #tpu.memory_space<hbm>>
      %dma_start3A_51 = tpu.memref_squeeze %dma_start3A_50 : memref<1x640x32xf32, #tpu.memory_space<hbm>> -> memref<640x32xf32, #tpu.memory_space<hbm>>
      %dma_start3A_52 = arith.constant 0 : i32
      %dma_start3A_53 = tpu.memref_slice %arg12[%multiple_of3A, %dma_start3A_52] : memref<10000x32xf32, #tpu.memory_space<vmem_shared>> -> memref<640x32xf32, #tpu.memory_space<vmem_shared>>
      tpu.enqueue_dma source(%dma_start3A_53 : memref<640x32xf32, #tpu.memory_space<vmem_shared>>) target(%dma_start3A_51 : memref<640x32xf32, #tpu.memory_space<hbm>>) target_semaphore(%run_scoped3A_48 : memref<!tpu.dma_semaphore, #tpu.memory_space<semaphore_mem>>)
      %dma_wait3A = arith.constant 0 : i32
      %dma_wait3A_54 = tpu.memref_slice %arg5[%arg0, %multiple_of3A, %dma_wait3A] : memref<2x10000x32xf32, #tpu.memory_space<hbm>> -> memref<1x640x32xf32, #tpu.memory_space<hbm>>
      %dma_wait3A_55 = tpu.memref_squeeze %dma_wait3A_54 : memref<1x640x32xf32, #tpu.memory_space<hbm>> -> memref<640x32xf32, #tpu.memory_space<hbm>>
      %dma_wait3A_56 = arith.constant 0 : i32
      %dma_wait3A_57 = tpu.memref_slice %arg12[%multiple_of3A, %dma_wait3A_56] : memref<10000x32xf32, #tpu.memory_space<vmem_shared>> -> memref<640x32xf32, #tpu.memory_space<vmem_shared>>
      tpu.wait_dma2 semaphore(%run_scoped3A_48 : memref<!tpu.dma_semaphore, #tpu.memory_space<semaphore_mem>>) src(%dma_wait3A_57 : memref<640x32xf32, #tpu.memory_space<vmem_shared>>) dst(%dma_wait3A_55 : memref<640x32xf32, #tpu.memory_space<hbm>>)
      tpu.yield
    }) : () -> ()
    return
  }
}

module attributes {stable_mosaic.version = 14 : i64} {
  func.func @body(%arg0: i32, %arg1: memref<1024x128xf32, #tpu.memory_space<vmem>>, %arg2: memref<512x128xf32, #tpu.memory_space<vmem>>, %arg3: memref<512x128xf32, #tpu.memory_space<vmem>>, %arg4: memref<256x128xf32, #tpu.memory_space<vmem>>, %arg5: memref<256x128xf32, #tpu.memory_space<vmem>>) attributes {dimension_semantics = [#tpu.dimension_semantics<arbitrary>], iteration_bounds = array<i64: 10>, scalar_prefetch = 0 : i64, scratch_operands = 0 : i64, tpu.core_type = #tpu.core_type<tc>, window_params = [{transform_indices = @transform_0, window_bounds = array<i64: 1024, 128>}, {pipeline_mode = #tpu.pipeline_mode<synchronous>, transform_indices = @transform_1, window_bounds = array<i64: 512, 128>}, {pipeline_mode = #tpu.pipeline_mode<synchronous>, transform_indices = @transform_2, window_bounds = array<i64: 512, 128>}, {transform_indices = @transform_3, window_bounds = array<i64: 256, 128>}, {transform_indices = @transform_4, window_bounds = array<i64: 256, 128>}]} {
    %get3A = arith.constant 0 : index
    %get3A_0 = arith.constant 0 : index
    %get3A_1 = vector.load %arg1[%get3A, %get3A_0] : memref<1024x128xf32, #tpu.memory_space<vmem>>, vector<1024x128xf32>
    %reshape3A = vector.shape_cast %get3A_1 : vector<1024x128xf32> to vector<256x512xf32>
    %get3A_2 = arith.constant 0 : index
    %get3A_3 = arith.constant 0 : index
    %get3A_4 = vector.load %arg2[%get3A_2, %get3A_3] : memref<512x128xf32, #tpu.memory_space<vmem>>, vector<512x128xf32>
    %dot_general3A = arith.constant dense<0.000000e+00> : vector<256x128xf32>
    %dot_general3A_5 = tpu.matmul %reshape3A, %get3A_4, %dot_general3A {dimension_numbers = #tpu.dot_dimension_numbers<[1], [0], [0], [1], [0, 0, 1, 1], [], []>, transpose_lhs_hint = false} : vector<256x512xf32>, vector<512x128xf32>, vector<256x128xf32> -> vector<256x128xf32>
    %swap3A = arith.constant 0 : index
    %swap3A_6 = arith.constant 0 : index
    %swap3A_7 = vector.load %arg4[%swap3A, %swap3A_6] : memref<256x128xf32, #tpu.memory_space<vmem>>, vector<256x128xf32>
    tpu.vector_store %arg4[%swap3A, %swap3A_6], %dot_general3A_5 {strides = array<i32>} : memref<256x128xf32, #tpu.memory_space<vmem>>, vector<256x128xf32>,
    %get3A_8 = arith.constant 0 : index
    %get3A_9 = arith.constant 0 : index
    %get3A_10 = vector.load %arg3[%get3A_8, %get3A_9] : memref<512x128xf32, #tpu.memory_space<vmem>>, vector<512x128xf32>
    %dot_general3A_11 = arith.constant dense<0.000000e+00> : vector<256x128xf32>
    %dot_general3A_12 = tpu.matmul %reshape3A, %get3A_10, %dot_general3A_11 {dimension_numbers = #tpu.dot_dimension_numbers<[1], [0], [0], [1], [0, 0, 1, 1], [], []>, transpose_lhs_hint = false} : vector<256x512xf32>, vector<512x128xf32>, vector<256x128xf32> -> vector<256x128xf32>
    %swap3A_13 = arith.constant 0 : index
    %swap3A_14 = arith.constant 0 : index
    %swap3A_15 = vector.load %arg5[%swap3A_13, %swap3A_14] : memref<256x128xf32, #tpu.memory_space<vmem>>, vector<256x128xf32>
    tpu.vector_store %arg5[%swap3A_13, %swap3A_14], %dot_general3A_12 {strides = array<i32>} : memref<256x128xf32, #tpu.memory_space<vmem>>, vector<256x128xf32>,
    return
  }
  func.func @transform_0(%arg0: i32) -> (i32, i32) {
    %c0_i32 = arith.constant 0 : i32
    %c0_i32_0 = arith.constant 0 : i32
    return %arg0, %c0_i32 : i32, i32
  }
  func.func @transform_1(%arg0: i32) -> (i32, i32) {
    %c0_i32 = arith.constant 0 : i32
    %c0_i32_0 = arith.constant 0 : i32
    %c0_i32_1 = arith.constant 0 : i32
    return %c0_i32, %c0_i32_0 : i32, i32
  }
  func.func @transform_2(%arg0: i32) -> (i32, i32) {
    %c0_i32 = arith.constant 0 : i32
    %c0_i32_0 = arith.constant 0 : i32
    %c0_i32_1 = arith.constant 0 : i32
    return %c0_i32, %c0_i32_0 : i32, i32
  }
  func.func @transform_3(%arg0: i32) -> (i32, i32) {
    %c0_i32 = arith.constant 0 : i32
    %c0_i32_0 = arith.constant 0 : i32
    return %arg0, %c0_i32 : i32, i32
  }
  func.func @transform_4(%arg0: i32) -> (i32, i32) {
    %c0_i32 = arith.constant 0 : i32
    %c0_i32_0 = arith.constant 0 : i32
    return %arg0, %c0_i32 : i32, i32
  }
}

module attributes {stable_mosaic.version = 14 : i64} {
  func.func @body(%arg0: i32, %arg1: memref<2x256x128xf32, #tpu.memory_space<vmem>>, %arg2: memref<256x128xf32, #tpu.memory_space<vmem>>, %arg3: memref<256x128xf32, #tpu.memory_space<vmem>>, %arg4: memref<1x128xf32, #tpu.memory_space<vmem>>, %arg5: memref<256x128xf32, #tpu.memory_space<vmem>>) attributes {dimension_semantics = [#tpu.dimension_semantics<arbitrary>], iteration_bounds = array<i64: 10>, scalar_prefetch = 0 : i64, scratch_operands = 0 : i64, tpu.core_type = #tpu.core_type<tc>, window_params = [{transform_indices = @transform_0, window_bounds = array<i64: 2, 256, 128>}, {transform_indices = @transform_1, window_bounds = array<i64: 256, 128>}, {transform_indices = @transform_2, window_bounds = array<i64: 256, 128>}, {pipeline_mode = #tpu.pipeline_mode<synchronous>, transform_indices = @transform_3, window_bounds = array<i64: 1, 128>}, {transform_indices = @transform_4, window_bounds = array<i64: 256, 128>}]} {
    %get3A = arith.constant 0 : index
    %get3A_0 = arith.constant 0 : index
    %get3A_1 = arith.constant 0 : index
    %get3A_2 = vector.load %arg1[%get3A, %get3A_0, %get3A_1] : memref<2x256x128xf32, #tpu.memory_space<vmem>>, vector<1x256x128xf32>
    %get3A_3 = vector.shape_cast %get3A_2 : vector<1x256x128xf32> to vector<256x128xf32>
    %get3A_4 = arith.constant 1 : index
    %get3A_5 = arith.constant 0 : index
    %get3A_6 = arith.constant 0 : index
    %get3A_7 = vector.load %arg1[%get3A_4, %get3A_5, %get3A_6] : memref<2x256x128xf32, #tpu.memory_space<vmem>>, vector<1x256x128xf32>
    %get3A_8 = vector.shape_cast %get3A_7 : vector<1x256x128xf32> to vector<256x128xf32>
    %add3A = arith.addf %get3A_3, %get3A_8 : vector<256x128xf32>
    %get3A_9 = arith.constant 0 : index
    %get3A_10 = arith.constant 0 : index
    %get3A_11 = vector.load %arg2[%get3A_9, %get3A_10] : memref<256x128xf32, #tpu.memory_space<vmem>>, vector<256x128xf32>
    %mul3A = arith.mulf %add3A, %get3A_11 : vector<256x128xf32>
    %get3A_12 = arith.constant 0 : index
    %get3A_13 = arith.constant 0 : index
    %get3A_14 = vector.load %arg3[%get3A_12, %get3A_13] : memref<256x128xf32, #tpu.memory_space<vmem>>, vector<256x128xf32>
    %add3A_15 = arith.addf %mul3A, %get3A_14 : vector<256x128xf32>
    %get3A_16 = arith.constant 0 : index
    %get3A_17 = arith.constant 0 : index
    %get3A_18 = vector.load %arg4[%get3A_16, %get3A_17] : memref<1x128xf32, #tpu.memory_space<vmem>>, vector<1x128xf32>
    %add3A_19 = vector.broadcast %get3A_18 : vector<1x128xf32> to vector<256x128xf32>
    %add3A_20 = arith.addf %add3A_15, %add3A_19 : vector<256x128xf32>
    %max3A = arith.constant 0.000000e+00 : f32
    %max3A_21 = vector.broadcast %max3A : f32 to vector<256x128xf32>
    %max3A_22 = arith.maximumf %add3A_20, %max3A_21 : vector<256x128xf32>
    %swap3A = arith.constant 0 : index
    %swap3A_23 = arith.constant 0 : index
    %swap3A_24 = vector.load %arg5[%swap3A, %swap3A_23] : memref<256x128xf32, #tpu.memory_space<vmem>>, vector<256x128xf32>
    tpu.vector_store %arg5[%swap3A, %swap3A_23], %max3A_22 {strides = array<i32>} : memref<256x128xf32, #tpu.memory_space<vmem>>, vector<256x128xf32>,
    return
  }
  func.func @transform_0(%arg0: i32) -> (i32, i32, i32) {
    %c0_i32 = arith.constant 0 : i32
    %c0_i32_0 = arith.constant 0 : i32
    %c0_i32_1 = arith.constant 0 : i32
    return %c0_i32, %arg0, %c0_i32_0 : i32, i32, i32
  }
  func.func @transform_1(%arg0: i32) -> (i32, i32) {
    %c0_i32 = arith.constant 0 : i32
    %c0_i32_0 = arith.constant 0 : i32
    return %arg0, %c0_i32 : i32, i32
  }
  func.func @transform_2(%arg0: i32) -> (i32, i32) {
    %c0_i32 = arith.constant 0 : i32
    %c0_i32_0 = arith.constant 0 : i32
    return %arg0, %c0_i32 : i32, i32
  }
  func.func @transform_3(%arg0: i32) -> (i32, i32) {
    %c0_i32 = arith.constant 0 : i32
    %c0_i32_0 = arith.constant 0 : i32
    %c0_i32_1 = arith.constant 0 : i32
    return %c0_i32, %c0_i32_0 : i32, i32
  }
  func.func @transform_4(%arg0: i32) -> (i32, i32) {
    %c0_i32 = arith.constant 0 : i32
    %c0_i32_0 = arith.constant 0 : i32
    return %arg0, %c0_i32 : i32, i32
  }
}

module attributes {stable_mosaic.version = 14 : i64} {
  func.func @body(%arg0: i32, %arg1: memref<2x256x128xf32, #tpu.memory_space<vmem>>, %arg2: memref<2x256x128xf32, #tpu.memory_space<vmem>>, %arg3: memref<256x128xf32, #tpu.memory_space<vmem>>, %arg4: memref<1x128xf32, #tpu.memory_space<vmem>>, %arg5: memref<128x128xf32, #tpu.memory_space<vmem>>, %arg6: memref<128x128xf32, #tpu.memory_space<vmem>>, %arg7: memref<256x128xf32, #tpu.memory_space<vmem>>, %arg8: memref<256x128xf32, #tpu.memory_space<vmem>>, %arg9: memref<256x128xf32, #tpu.memory_space<vmem>>) attributes {dimension_semantics = [#tpu.dimension_semantics<arbitrary>], iteration_bounds = array<i64: 10>, scalar_prefetch = 0 : i64, scratch_operands = 0 : i64, tpu.core_type = #tpu.core_type<tc>, window_params = [{transform_indices = @transform_0, window_bounds = array<i64: 2, 256, 128>}, {transform_indices = @transform_1, window_bounds = array<i64: 2, 256, 128>}, {transform_indices = @transform_2, window_bounds = array<i64: 256, 128>}, {pipeline_mode = #tpu.pipeline_mode<synchronous>, transform_indices = @transform_3, window_bounds = array<i64: 1, 128>}, {pipeline_mode = #tpu.pipeline_mode<synchronous>, transform_indices = @transform_4, window_bounds = array<i64: 128, 128>}, {pipeline_mode = #tpu.pipeline_mode<synchronous>, transform_indices = @transform_5, window_bounds = array<i64: 128, 128>}, {transform_indices = @transform_6, window_bounds = array<i64: 256, 128>}, {transform_indices = @transform_7, window_bounds = array<i64: 256, 128>}, {transform_indices = @transform_8, window_bounds = array<i64: 256, 128>}]} {
    %get3A = arith.constant 0 : index
    %get3A_0 = arith.constant 0 : index
    %get3A_1 = arith.constant 0 : index
    %get3A_2 = vector.load %arg1[%get3A, %get3A_0, %get3A_1] : memref<2x256x128xf32, #tpu.memory_space<vmem>>, vector<1x256x128xf32>
    %get3A_3 = vector.shape_cast %get3A_2 : vector<1x256x128xf32> to vector<256x128xf32>
    %get3A_4 = arith.constant 1 : index
    %get3A_5 = arith.constant 0 : index
    %get3A_6 = arith.constant 0 : index
    %get3A_7 = vector.load %arg1[%get3A_4, %get3A_5, %get3A_6] : memref<2x256x128xf32, #tpu.memory_space<vmem>>, vector<1x256x128xf32>
    %get3A_8 = vector.shape_cast %get3A_7 : vector<1x256x128xf32> to vector<256x128xf32>
    %add3A = arith.addf %get3A_3, %get3A_8 : vector<256x128xf32>
    %get3A_9 = arith.constant 0 : index
    %get3A_10 = arith.constant 0 : index
    %get3A_11 = arith.constant 0 : index
    %get3A_12 = vector.load %arg2[%get3A_9, %get3A_10, %get3A_11] : memref<2x256x128xf32, #tpu.memory_space<vmem>>, vector<1x256x128xf32>
    %get3A_13 = vector.shape_cast %get3A_12 : vector<1x256x128xf32> to vector<256x128xf32>
    %get3A_14 = arith.constant 1 : index
    %get3A_15 = arith.constant 0 : index
    %get3A_16 = arith.constant 0 : index
    %get3A_17 = vector.load %arg2[%get3A_14, %get3A_15, %get3A_16] : memref<2x256x128xf32, #tpu.memory_space<vmem>>, vector<1x256x128xf32>
    %get3A_18 = vector.shape_cast %get3A_17 : vector<1x256x128xf32> to vector<256x128xf32>
    %add3A_19 = arith.addf %get3A_13, %get3A_18 : vector<256x128xf32>
    %max3A = arith.constant 1.000000e+00 : f32
    %max3A_20 = vector.broadcast %max3A : f32 to vector<256x128xf32>
    %max3A_21 = arith.maximumf %add3A_19, %max3A_20 : vector<256x128xf32>
    %div3A = arith.constant 1.000000e+00 : f32
    %div3A_22 = vector.broadcast %div3A : f32 to vector<256x128xf32>
    %div3A_23 = arith.divf %div3A_22, %max3A_21 : vector<256x128xf32>
    %swap3A = arith.constant 0 : index
    %swap3A_24 = arith.constant 0 : index
    %swap3A_25 = vector.load %arg9[%swap3A, %swap3A_24] : memref<256x128xf32, #tpu.memory_space<vmem>>, vector<256x128xf32>
    tpu.vector_store %arg9[%swap3A, %swap3A_24], %div3A_23 {strides = array<i32>} : memref<256x128xf32, #tpu.memory_space<vmem>>, vector<256x128xf32>,
    %mul3A = arith.mulf %add3A, %div3A_23 : vector<256x128xf32>
    %get3A_26 = arith.constant 0 : index
    %get3A_27 = arith.constant 0 : index
    %get3A_28 = vector.load %arg3[%get3A_26, %get3A_27] : memref<256x128xf32, #tpu.memory_space<vmem>>, vector<256x128xf32>
    %add3A_29 = arith.addf %mul3A, %get3A_28 : vector<256x128xf32>
    %get3A_30 = arith.constant 0 : index
    %get3A_31 = arith.constant 0 : index
    %get3A_32 = vector.load %arg4[%get3A_30, %get3A_31] : memref<1x128xf32, #tpu.memory_space<vmem>>, vector<1x128xf32>
    %add3A_33 = vector.broadcast %get3A_32 : vector<1x128xf32> to vector<256x128xf32>
    %add3A_34 = arith.addf %add3A_29, %add3A_33 : vector<256x128xf32>
    %max3A_35 = arith.constant 0.000000e+00 : f32
    %max3A_36 = vector.broadcast %max3A_35 : f32 to vector<256x128xf32>
    %max3A_37 = arith.maximumf %add3A_34, %max3A_36 : vector<256x128xf32>
    %get3A_38 = arith.constant 0 : index
    %get3A_39 = arith.constant 0 : index
    %get3A_40 = vector.load %arg5[%get3A_38, %get3A_39] : memref<128x128xf32, #tpu.memory_space<vmem>>, vector<128x128xf32>
    %dot_general3A = arith.constant dense<0.000000e+00> : vector<256x128xf32>
    %dot_general3A_41 = tpu.matmul %max3A_37, %get3A_40, %dot_general3A {dimension_numbers = #tpu.dot_dimension_numbers<[1], [0], [0], [1], [0, 0, 1, 1], [], []>, transpose_lhs_hint = false} : vector<256x128xf32>, vector<128x128xf32>, vector<256x128xf32> -> vector<256x128xf32>
    %swap3A_42 = arith.constant 0 : index
    %swap3A_43 = arith.constant 0 : index
    %swap3A_44 = vector.load %arg7[%swap3A_42, %swap3A_43] : memref<256x128xf32, #tpu.memory_space<vmem>>, vector<256x128xf32>
    tpu.vector_store %arg7[%swap3A_42, %swap3A_43], %dot_general3A_41 {strides = array<i32>} : memref<256x128xf32, #tpu.memory_space<vmem>>, vector<256x128xf32>,
    %get3A_45 = arith.constant 0 : index
    %get3A_46 = arith.constant 0 : index
    %get3A_47 = vector.load %arg6[%get3A_45, %get3A_46] : memref<128x128xf32, #tpu.memory_space<vmem>>, vector<128x128xf32>
    %dot_general3A_48 = arith.constant dense<0.000000e+00> : vector<256x128xf32>
    %dot_general3A_49 = tpu.matmul %max3A_37, %get3A_47, %dot_general3A_48 {dimension_numbers = #tpu.dot_dimension_numbers<[1], [0], [0], [1], [0, 0, 1, 1], [], []>, transpose_lhs_hint = false} : vector<256x128xf32>, vector<128x128xf32>, vector<256x128xf32> -> vector<256x128xf32>
    %swap3A_50 = arith.constant 0 : index
    %swap3A_51 = arith.constant 0 : index
    %swap3A_52 = vector.load %arg8[%swap3A_50, %swap3A_51] : memref<256x128xf32, #tpu.memory_space<vmem>>, vector<256x128xf32>
    tpu.vector_store %arg8[%swap3A_50, %swap3A_51], %dot_general3A_49 {strides = array<i32>} : memref<256x128xf32, #tpu.memory_space<vmem>>, vector<256x128xf32>,
    return
  }
  func.func @transform_0(%arg0: i32) -> (i32, i32, i32) {
    %c0_i32 = arith.constant 0 : i32
    %c0_i32_0 = arith.constant 0 : i32
    %c0_i32_1 = arith.constant 0 : i32
    return %c0_i32, %arg0, %c0_i32_0 : i32, i32, i32
  }
  func.func @transform_1(%arg0: i32) -> (i32, i32, i32) {
    %c0_i32 = arith.constant 0 : i32
    %c0_i32_0 = arith.constant 0 : i32
    %c0_i32_1 = arith.constant 0 : i32
    return %c0_i32, %arg0, %c0_i32_0 : i32, i32, i32
  }
  func.func @transform_2(%arg0: i32) -> (i32, i32) {
    %c0_i32 = arith.constant 0 : i32
    %c0_i32_0 = arith.constant 0 : i32
    return %arg0, %c0_i32 : i32, i32
  }
  func.func @transform_3(%arg0: i32) -> (i32, i32) {
    %c0_i32 = arith.constant 0 : i32
    %c0_i32_0 = arith.constant 0 : i32
    %c0_i32_1 = arith.constant 0 : i32
    return %c0_i32, %c0_i32_0 : i32, i32
  }
  func.func @transform_4(%arg0: i32) -> (i32, i32) {
    %c0_i32 = arith.constant 0 : i32
    %c0_i32_0 = arith.constant 0 : i32
    %c0_i32_1 = arith.constant 0 : i32
    return %c0_i32, %c0_i32_0 : i32, i32
  }
  func.func @transform_5(%arg0: i32) -> (i32, i32) {
    %c0_i32 = arith.constant 0 : i32
    %c0_i32_0 = arith.constant 0 : i32
    %c0_i32_1 = arith.constant 0 : i32
    return %c0_i32, %c0_i32_0 : i32, i32
  }
  func.func @transform_6(%arg0: i32) -> (i32, i32) {
    %c0_i32 = arith.constant 0 : i32
    %c0_i32_0 = arith.constant 0 : i32
    return %arg0, %c0_i32 : i32, i32
  }
  func.func @transform_7(%arg0: i32) -> (i32, i32) {
    %c0_i32 = arith.constant 0 : i32
    %c0_i32_0 = arith.constant 0 : i32
    return %arg0, %c0_i32 : i32, i32
  }
  func.func @transform_8(%arg0: i32) -> (i32, i32) {
    %c0_i32 = arith.constant 0 : i32
    %c0_i32_0 = arith.constant 0 : i32
    return %arg0, %c0_i32 : i32, i32
  }
}

</mosaic_0001>

<sc_bundles>
// kernel: kernel.10.cloned.1.call-start
scs
__scs_entry_jumppad:
0x0: {  	(pc) =	sbr.rel $0x88, $3  }
0x1: {  	(tag) =	ssettag $0x0;
	lr =	simm.s32 $0x1  }
0x2: {  	[smem:$0x3F99] =	sst lr;
	_ =	strace $0xD0000000  }
0x3: {  	_ = 	snop  }
0x4: {  	_ = 	snop  }
0x5: {  	_ = 	snop  }
0x6: {  	_ = 	snop  }
0x7: {  	_ = 	snop  }
__scs_overlays_trampoline_lowered:
0x8: {  	[smem:$0x3FA8] =	sst s0  }
0x9: {  	[smem:$0x3FA9] =	sst s1  }
0xa: {  	[smem:$0x3FAA] =	sst s2  }
0xb: {  	[smem:$0x3FAB] =	sst s3  }
0xc: {  	[smem:$0x3FAC] =	sst s4  }
0xd: {  	[smem:$0x3FAD] =	sst s5  }
0xe: {  	[smem:$0x3FAE] =	sst s6  }
0xf: {  	[smem:$0x3FAF] =	sst s7  }
0x10: {  	[smem:$0x3FB0] =	sst s8  }
0x11: {  	[smem:$0x3FB1] =	sst s9;
	s0 =	simm.s32 @!p0 $0x0  }
0x12: {  	s1 =	sld [smem:$0x3F97];
	s0 =	simm.s32 @p0 $0x1  }
0x13: {  	[smem:$0x3FB2] =	sst s0;
	s0 =	simm.s32 @!p1 $0x0  }
0x14: {  	s2 =	sld [smem:$0x3F96];
	s0 =	simm.s32 @p1 $0x1  }
0x15: {  	[smem:$0x3FB3] =	sst s0;
	s0 =	simm.s32 @!p2 $0x0  }
0x16: {  	s3 =	sld [smem:$0x3FDB];
	s0 =	simm.s32 @p2 $0x1  }
0x17: {  	s4 =	simm.s32 $0x1BF5;
	[smem:$0x3FB5] =	sst s0  }
0x18: {  	s0 =	sld [smem:$0x3F98];
	_ =	swait.ge [sflag:s4], $0x0  }
0x19: {  	s7 =	sld [smem:$0x3F99]  }
0x1a: {  	s8 =	sadd.s32 $0xFFFFE003, lr  }
0x1b: {  	s9 =	sadd.s32 $0xFFFFFEF7, lr;
	s5 =	simm.s32 $0xFFFFFFFF;
	p2 =	slt.u32 s8, $0xFFFFF086  }
0x1c: {  	p1 =	slt.u32 s9, $0xF7A;
	s5 =	simm.s32 @!p2 $0x0  }
0x1d: {  	s5 =	simm.s32 @p1 $0x1;
	p0 =	seq.s32 s7, s2  }
0x1e: {  	s7 =	smul.u32 @!p0 $0xF7A, s2;
	p2 =	seq.s32 @!p0 s5, $0x0  }
0x1f: {  	s9 =	smul.u32 $0xF7A, s1;
	s8 =	simm.s32 @!p0 $0x1BF5;
	p2 =	por !p2, p0  }
0x20: {  	[sflag:s8] =	ssyncset.s32 @!p0 $0xFFFFF086;
	s6 =	sadd.s32 @!p0 s3, s7;
	s7 =	simm.s32 @!p0 $0x108  }
0x21: {  	s3 =	sadd.s32 s3, s9;
	s6 =	sadd.s32 @!p0 $0x88, s6;
	s7 =	simm.s32 @p2 $0x1082  }
0x22: {  	[simem:s7], [sflag:s8] =	dma.local @!p0 [hbm:s6], $0xF7A  }
0x23: {  	s9 =	sor.u32 $0xD0000000, s2;
	s6 =	simm.s32 $0x108;
	_ =	swait.ge @!p0 [sflag:s8], $0x0  }
0x24: {  	s3 =	sadd.s32 $0x88, s3;
	s6 =	simm.s32 @!p1 $0x1082;
	[sflag:s4] =	ssyncset.s32 $0xFFFFF086  }
0x25: {  	[simem:s6], [sflag:s4] =	dma.local [hbm:s3], $0xF7A  }
0x26: {  	[smem:$0x3F99] =	sst s1;
	(tag) =	ssettag s2;
	_ =	strace s9  }
0x27: {  	s1 =	sld [smem:$0x3FA9]  }
0x28: {  	s2 =	sld [smem:$0x3FAA]  }
0x29: {  	s4 =	sld [smem:$0x3FAC]  }
0x2a: {  	p0 =	seq.s32 s5, $0x0;
	s5 =	sld [smem:$0x3FAD]  }
0x2b: {  	s6 =	sld [smem:$0x3FAE]  }
0x2c: {  	s7 =	sld [smem:$0x3FAF]  }
0x2d: {  	s3 =	simm.s32 $0x108;
	s8 =	sld [smem:$0x3FB0]  }
0x2e: {  	s3 =	simm.s32 @!p0 $0x1082;
	s9 =	sld [smem:$0x3FB1]  }
0x2f: {  	lr =	sadd.s32 s0, s3;
	s0 =	sld [smem:$0x3FA8]  }
0x30: {  	s3 =	sld [smem:$0x3FAB]  }
0x31: {  	[smem:$0x3FB4] =	sst s10  }
0x32: {  	s10 =	sld [smem:$0x3FB2];
	_ =	sdelay $0x3  }
0x33: {  	p0 =	seq.s32 s10, $0x1;
	s10 =	sld [smem:$0x3FB4];
	_ =	sdelay $0x3  }
0x34: {  	[smem:$0x3FB4] =	sst s10  }
0x35: {  	s10 =	sld [smem:$0x3FB3];
	_ =	sdelay $0x3  }
0x36: {  	p1 =	seq.s32 s10, $0x1;
	s10 =	sld [smem:$0x3FB4];
	_ =	sdelay $0x3  }
0x37: {  	[smem:$0x3FB4] =	sst s10  }
0x38: {  	s10 =	sld [smem:$0x3FB5]  }
0x39: {  	_ = 	snop;
	(pc) =	sbr.ind lr, $3  }
0x3a: {  	_ = 	snop  }
0x3b: {  	_ = 	snop  }
0x3c: {  	p2 =	seq.s32 s10, $0x1;
	s10 =	sld [smem:$0x3FB4]  }
0x3d: {  	_ =	shalt  }
0x3e: {  	_ =	shalt  }
0x3f: {  	_ =	shalt  }
0x40: {  	_ =	shalt  }
0x41: {  	_ =	shalt  }
0x42: {  	_ =	shalt  }
0x43: {  	_ =	shalt  }
0x44: {  	_ =	shalt  }
0x45: {  	_ =	shalt  }
0x46: {  	_ =	shalt  }
0x47: {  	_ =	shalt  }
0x48: {  	_ =	shalt  }
0x49: {  	_ =	shalt  }
0x4a: {  	_ =	shalt  }
0x4b: {  	_ =	shalt  }
0x4c: {  	_ =	shalt  }
0x4d: {  	_ =	shalt  }
0x4e: {  	_ =	shalt  }
0x4f: {  	_ =	shalt  }
0x50: {  	_ =	shalt  }
0x51: {  	_ =	shalt  }
0x52: {  	_ =	shalt  }
0x53: {  	_ =	shalt  }
0x54: {  	_ =	shalt  }
0x55: {  	_ =	shalt  }
0x56: {  	_ =	shalt  }
0x57: {  	_ =	shalt  }
0x58: {  	_ =	shalt  }
0x59: {  	_ =	shalt  }
0x5a: {  	_ =	shalt  }
0x5b: {  	_ =	shalt  }
0x5c: {  	_ =	shalt  }
0x5d: {  	_ =	shalt  }
0x5e: {  	_ =	shalt  }
0x5f: {  	_ =	shalt  }
0x60: {  	_ =	shalt  }
0x61: {  	_ =	shalt  }
0x62: {  	_ =	shalt  }
0x63: {  	_ =	shalt  }
0x64: {  	_ =	shalt  }
0x65: {  	_ =	shalt  }
0x66: {  	_ =	shalt  }
0x67: {  	_ =	shalt  }
0x68: {  	_ =	shalt  }
0x69: {  	_ =	shalt  }
0x6a: {  	_ =	shalt  }
0x6b: {  	_ =	shalt  }
0x6c: {  	_ =	shalt  }
0x6d: {  	_ =	shalt  }
0x6e: {  	_ =	shalt  }
0x6f: {  	_ =	shalt  }
0x70: {  	_ =	shalt  }
0x71: {  	_ =	shalt  }
0x72: {  	_ =	shalt  }
0x73: {  	_ =	shalt  }
0x74: {  	_ =	shalt  }
0x75: {  	_ =	shalt  }
0x76: {  	_ =	shalt  }
0x77: {  	_ =	shalt  }
0x78: {  	_ =	shalt  }
0x79: {  	_ =	shalt  }
0x7a: {  	_ =	shalt  }
0x7b: {  	_ =	shalt  }
0x7c: {  	_ =	shalt  }
0x7d: {  	_ =	shalt  }
0x7e: {  	_ =	shalt  }
0x7f: {  	_ =	shalt  }
0x80: {  	_ =	shalt  }
0x81: {  	_ =	shalt  }
0x82: {  	_ =	shalt  }
0x83: {  	_ =	shalt  }
0x84: {  	_ =	shalt  }
0x85: {  	_ =	shalt  }
0x86: {  	_ =	shalt  }
0x87: {  	_ =	shalt  }
.Lfunc_end0:
.L_simem_size_0:
called_computation.1_lowered:
.L_overlay_start_0:
0x88: {  	s2 =	sld [smem:$0x3FD9]  }
0x89: {  	s3 =	sld [smem:$0x3FFE];
	_ =	sdelay $0x1  }
0x8a: {  	s1 =	srdreg.scid  }
0x8b: {  	s0 =	sand.u32 $0x1, s1  }
0x8c: {  	s17 =	sshll.u32 s0, $0xA;
	s2 =	sadd.s32 s3, s2  }
0x8d: {  	s2 =	sadd.s32 s2, s17  }
0x8e: {  	[smem:$0x3FC0] =	sst s2  }
0x8f: {  	_ = 	snop  }
0x90: {  	s2 =	sld [smem:$0x3FC8]  }
0x91: {  	s18 =	sld [smem:$0x3FD0];
	(tm) =	ssettm $0x1  }
0x92: {  	s4 =	sld [smem:$0x3FFB];
	_ =	sdelay $0x3  }
0x93: {  	_ =	strace s4  }
0x94: {  	s4 =	sld [smem:$0x3FFC];
	_ =	sdelay $0x3  }
0x95: {  	_ =	strace s4  }
0x96: {  	s4 =	sld [smem:$0x3FFD];
	_ =	sdelay $0x3  }
0x97: {  	_ =	strace s4  }
0x98: {  	_ =	strace $0x8FFFFFFF  }
0x99: {  	s19 =	sld [smem:$0x3FDB];
	_ =	sdelay $0x1  }
0x9a: {  	s5 =	simm.s32 $_scs_section_size  }
0x9b: {  	s6 =	simm.s32 $_size__tile_overlayer_lowered;
	s7 =	simm.s32 $_tile_overlayer_lowered  }
0x9c: {  	s22 =	simm.s32 $0x1BFF;
	s21 =	sshll.u32 s7, $0x1;
	s4 =	sadd.s32 s5, s19  }
0x9d: {  	s8 =	simm.s32 $0x0;
	s20 =	sshll.u32 s6, $0x1;
	s6 =	sadd.s32 s21, s4  }
0x9e: {  	[timem:s8], [sflag:s22] =	dma.local [hbm:s6], s20  }
0x9f: {  	_ =	swait.ge [sflag:s22], s20  }
0xa0: {  	s5 =	ssub.s32 $0x0, s20;
	[sflag:s22] =	ssyncset.done $0x0  }
0xa1: {  	[sflag:s22] =	ssyncadd.s32 s5;
	_ =	sdelay $0x1  }
0xa2: {  	s23 =	simm.s32 $0x1B8B  }
0xa3: {  	_ =	swait.ge [sflag:s23], $0x1  }
0xa4: {  	[sflag:s23] =	ssyncset.done $0x0  }
0xa5: {  	s25 =	simm.s32 $0x1B8E;
	s24 =	sld [smem:$0x3FFE];
	[sflag:s23] =	ssyncadd.s32 $0xFFFFFFFF  }
0xa6: {  	s26 =	simm.s32 $execute0_lowered;
	[smem:$0x3FD2] =	sst s25  }
0xa7: {  	s6 =	sshll.u32 s26, $0x1;
	_ =	strace $0x80000049;
	[dreg:$0x1] =	wrdreg $0xFFFFFFFF  }
0xa8: {  	s28 =	simm.s32 $_size_execute0_lowered;
	s4 =	sadd.s32 s4, s6;
	[dreg:$0x0] =	wrdreg $0x0  }
0xa9: {  	s6 =	sshll.u32 s28, $0x1;
	[dreg:$0x2] =	wrdreg s4  }
0xaa: {  	[dreg:$0x3] =	wrdreg s6  }
0xab: {  	[dreg:$0x4] =	wrdreg $0xC0  }
0xac: {  	_ =	task [dreg:s8], $0x5FFFF  }
0xad: {  	[dreg:$0x1] =	wrdreg $0xFFFFFFFF  }
0xae: {  	[dreg:$0x0] =	wrdreg $0x60  }
0xaf: {  	[dreg:$0x2] =	wrdreg s18  }
0xb0: {  	[dreg:$0x3] =	wrdreg s24  }
0xb1: {  	[dreg:$0x4] =	wrdreg s2  }
0xb2: {  	[dreg:$0x5] =	wrdreg $0xDD200  }
0xb3: {  	[dreg:$0x6] =	wrdreg $0x8F000  }
0xb4: {  	[dreg:$0x7] =	wrdreg $0x9  }
0xb5: {  	_ =	task.clear_ibuf [dreg:s8], $0x8FFFF;
	_ =	strace $0x90000049  }
0xb6: {  	s29 =	simm.s32 $0x9;
	_ =	strace $0x8000004B  }
0xb7: {  	_ =	swait.ge [sflag:s29], $0x1  }
0xb8: {  	[sflag:s29] =	ssyncadd.s32 $0xFFFFFFFF  }
0xb9: {  	_ =	strace $0x9000004B  }
0xba: {  	_ =	sfence  }
0xbb: {  	s30 =	sld [smem:$0x0];
	_ =	sdelay $0x2  }
0xbc: {  	s31 =	sshll.u32 s1, $0xD;
	s1 =	sshrl.u32 s1, $0x2  }
0xbd: {  	s3 =	sand.u32 $0x4000, s31;
	s1 =	sadd.s32 s1, s30  }
0xbe: {  	s0 =	sor.u32 s3, s0;
	s1 =	sshll.u32 s1, $0x11  }
0xbf: {  	s0 =	sor.u32 s1, s0  }
0xc0: {  	s0 =	sadd.s32 $0x8F2B, s0  }
0xc1: {  	[sflag:s0] =	ssyncadd.remote.s32 $0x1  }
0xc2: {  	_ =	sfence.sel $0xFFFF  }
0xc3: {  	[dreg:$0x0] =	wrdreg $0xFFFFFFFF;
	(pc) =	sbr.abs _section_cstart, $3  }
0xc4: {  	[dreg:$0x1] =	wrdreg $0xFFFFFFFF  }
0xc5: {  	_ =	task.clear_ibuf [dreg:s8], $0x2FFFF;
	_ =	strace $0x9FFFFFFF  }
0xc6: {  	(tm) =	ssettm $0x7FFFFFFF  }
0xc7: {  	_ =	shalt  }
tec
execute0_lowered:
.L_overlay_start_1:
0x0: {  	(tag) =	ssettag $0x1  }
0x1: {  	s0 =	rddreg [dreg:$0x0]  }
0x2: {  	s1 =	rddreg [dreg:$0x1]  }
0x3: {  	s10 =	rddreg [dreg:$0x2]  }
0x4: {  	s2 =	rddreg [dreg:$0x3];
	s4 =	srdreg.scid  }
0x5: {  	s15 =	stileid.u32;
	s3 =	rddreg [dreg:$0x4]  }
0x6: {  	s17 =	simm.s32 $0x80;
	s18 =	simm.s32 $0x100;
	s20 =	simm.s32 $0x4F00  }
0x7: {  	s21 =	simm.s32 $0x5F00;
	s22 =	simm.s32 $0x6F00;
	s23 =	simm.s32 $0x7F00  }
0x8: {  	s24 =	simm.s32 $0x1;
	s25 =	simm.s32 $0x2;
	s6 =	sand.u32 $0x1, s4  }
0x9: {  	s11 =	smul.u32 $0x4E00, s15;
	s4 =	simm.s32 $0x0;
	s5 =	sadd.s32 $0x2400, s1  }
0xa: {  	s9 =	sshll.u32 s15, $0x1;
	p0 =	sgt.u32 s15, $0xD;
	s30 =	sshll.u32 s15, $0x6  }
0xb: {  	s15 =	simm.s32 $0x5;
	s7 =	smul.u32 $0x4E200, s6;
	[smem:$0x7FF] =	sst s4  }
0xc: {  	s8 =	ssub.s32 $0x2, s6;
	s9 =	sor.u32 s6, s9;
	s6 =	simm.s32 $0x3  }
0xd: {  	_ =	strace $0x8000004A;
	s26 =	sshrl.u32 s8, $0x1;
	s28 =	smul.u32 $0x4E, s9  }
0xe: {  	s9 =	smax.u32 s9, $0x1C;
	s14 =	sadd.s32 s11, s2;
	s29 =	sshrl.u32 s11, $0x3  }
0xf: {  	s16 =	sadd.s32 s11, s3;
	s7 =	sadd.s32 s11, s7;
	s13 =	ssub.s32 s8, s26  }
0x10: {  	s14 =	sshrl.u32 s14, $0x3;
	s16 =	sshrl.u32 s16, $0x3;
	s26 =	simm.s32 $0x4  }
0x11: {  	s7 =	sshrl.u32 s7, $0x3;
	s8 =	sadd.s32 s28, s9;
	s9 =	sor.u32 $0x1C05, s30  }
0x12: {  	s13 =	smax.u32 s13, $0x1;
	s1 =	sadd.s32 s7, s1;
	s7 =	simm.s32 $0x3  }
0x13: {  	s12 =	sshll.u32 s8, $0x5;
	s8 =	sadd.s32 s0, s29;
	s0 =	simm.s32 $0x0  }
0x14: {  	s7 =	simm.s32 @!p0 $0x2;
	s31 =	sadd.s32 s10, s12;
	s12 =	sadd.s32 $0x2E00, s1  }
0x15: {  	s1 =	simm.s32 $0x4D00;
	s10 =	sadd.s32 $0xFFFFFC80, s31;
	s11 =	sadd.s32 $0xFFFFFC90, s31  }
.LBB2_1:
0x16: {  	[spmem:s14], [sflag:s9] =	dma.local [hbm:s8], $0xA00  }
0x17: {  	_ =	swait.ge [sflag:s15], $0xA00  }
0x18: {  	[sflag:s15] =	ssyncset.done $0x0  }
0x19: {  	[sflag:s15] =	ssyncadd.s32 $0xFFFFF600  }
0x1a: {  	[spmem:s16], [sflag:s9] =	dma.local [hbm:s5], $0xA00  }
0x1b: {  	_ =	swait.ge [sflag:s15], $0xA00  }
0x1c: {  	[sflag:s15] =	ssyncset.done $0x0  }
0x1d: {  	[sflag:s15] =	ssyncadd.s32 $0xFFFFF600  }
0x1e: {  	[tilespmem:s4], [sflag:$0x5] =	stream.strided.gather [hbm4b:s10+s17], $0x2780, s18, s17, $0x38;
	[tilespmem:$0x12B40] =	vst v63  }
0x1f: {  	_ =	swait.ge [sflag:s15], $0x2780  }
0x20: {  	[sflag:s15] =	ssyncset.done $0x0  }
0x21: {  	s19 =	simm.s32 $0x2780;
	[sflag:s15] =	ssyncadd.s32 $0xFFFFD880  }
0x22: {  	[tilespmem:s19], [sflag:$0x5] =	stream.strided.gather [hbm4b:s11+s17], $0x2780, s18, s17, $0x38;
	[tilespmem:$0x12B40] =	vst v63  }
0x23: {  	_ =	swait.ge [sflag:s15], $0x2780  }
0x24: {  	[sflag:s15] =	ssyncset.done $0x0  }
0x25: {  	[sflag:s15] =	ssyncadd.s32 $0xFFFFD880  }
0x26: {  	[bflag:$0x0] =	sbarrier.arrive $0xFFFF  }
0x27: {  	[tilespmem:s20], [sflag:$0x1] =	stream.indirect.gather [spmem:s2], $0x20, s4, s17, $0xb8;
	[tilespmem:$0x12B40] =	vst v63  }
0x28: {  	_ = 	snop  }
0x29: {  	[tilespmem:s21], [sflag:$0x2] =	stream.indirect.gather [spmem:s2], $0x20, s17, s17, $0xb8;
	[tilespmem:$0x12B40] =	vst v63  }
0x2a: {  	_ = 	snop  }
0x2b: {  	[tilespmem:s22], [sflag:$0x3] =	stream.indirect.gather [spmem:s2], $0x20, s18, s17, $0xb8;
	[tilespmem:$0x12B40] =	vst v63  }
0x2c: {  	s30 =	simm.s32 $0x180  }
0x2d: {  	[tilespmem:s23], [sflag:$0x4] =	stream.indirect.gather [spmem:s2], $0x20, s30, s17, $0xb8;
	[tilespmem:$0x12B40] =	vst v63  }
0x2e: {  	_ =	swait.ge [sflag:s24], $0x1000  }
0x2f: {  	[sflag:s24] =	ssyncset.done $0x0  }
0x30: {  	s31 =	simm.s32 $0x2780;
	[sflag:s24] =	ssyncadd.s32 $0xFFFFF000  }
0x31: {  	[spmem:s3] =	stream.indirect.scatter.add.f32 [tilespmem:s20], [sflag:$0x5], $0x20, s31, s17, $0xb8;
	[tilespmem:$0x12B40] =	vst v63  }
0x32: {  	_ =	swait.ge [sflag:s15], $0x1000  }
0x33: {  	[sflag:s15] =	ssyncset.done $0x0  }
0x34: {  	s29 =	simm.s32 $0x200;
	[sflag:s15] =	ssyncadd.s32 $0xFFFFF000  }
0x35: {  	[tilespmem:s20], [sflag:$0x1] =	stream.indirect.gather [spmem:s2], $0x20, s29, s17, $0xb8;
	[tilespmem:$0x12B40] =	vst v63  }
0x36: {  	_ =	swait.ge [sflag:s25], $0x1000  }
0x37: {  	[sflag:s25] =	ssyncset.done $0x0  }
0x38: {  	s30 =	simm.s32 $0x2800;
	[sflag:s25] =	ssyncadd.s32 $0xFFFFF000  }
0x39: {  	[spmem:s3] =	stream.indirect.scatter.add.f32 [tilespmem:s21], [sflag:$0x5], $0x20, s30, s17, $0xb8;
	[tilespmem:$0x12B40] =	vst v63  }
0x3a: {  	_ =	swait.ge [sflag:s15], $0x1000  }
0x3b: {  	[sflag:s15] =	ssyncset.done $0x0  }
0x3c: {  	s31 =	simm.s32 $0x280;
	[sflag:s15] =	ssyncadd.s32 $0xFFFFF000  }
0x3d: {  	[tilespmem:s21], [sflag:$0x2] =	stream.indirect.gather [spmem:s2], $0x20, s31, s17, $0xb8;
	[tilespmem:$0x12B40] =	vst v63  }
0x3e: {  	_ =	swait.ge [sflag:s6], $0x1000  }
0x3f: {  	[sflag:s6] =	ssyncset.done $0x0  }
0x40: {  	s29 =	simm.s32 $0x2880;
	[sflag:s6] =	ssyncadd.s32 $0xFFFFF000  }
0x41: {  	[spmem:s3] =	stream.indirect.scatter.add.f32 [tilespmem:s22], [sflag:$0x5], $0x20, s29, s17, $0xb8;
	[tilespmem:$0x12B40] =	vst v63  }
0x42: {  	_ =	swait.ge [sflag:s15], $0x1000  }
0x43: {  	[sflag:s15] =	ssyncset.done $0x0  }
0x44: {  	s30 =	simm.s32 $0x300;
	[sflag:s15] =	ssyncadd.s32 $0xFFFFF000  }
0x45: {  	[tilespmem:s22], [sflag:$0x3] =	stream.indirect.gather [spmem:s2], $0x20, s30, s17, $0xb8;
	[tilespmem:$0x12B40] =	vst v63  }
0x46: {  	_ =	swait.ge [sflag:s26], $0x1000  }
0x47: {  	[sflag:s26] =	ssyncset.done $0x0  }
0x48: {  	s31 =	simm.s32 $0x2900;
	[sflag:s26] =	ssyncadd.s32 $0xFFFFF000  }
0x49: {  	[spmem:s3] =	stream.indirect.scatter.add.f32 [tilespmem:s23], [sflag:$0x5], $0x20, s31, s17, $0xb8;
	[tilespmem:$0x12B40] =	vst v63  }
0x4a: {  	_ =	swait.ge [sflag:s15], $0x1000  }
0x4b: {  	s28 =	simm.s32 $0x1000;
	s19 =	simm.s32 $0x200;
	[sflag:s15] =	ssyncset.done $0x0  }
.LBB2_2:
0x4c: {  	s31 =	sadd.s32 $0x180, s19  }
0x4d: {  	[sflag:s15] =	ssyncadd.s32 $0xFFFFF000;
	s29 =	smov.u32 s28;
	s30 =	sadd.s32 $0x800, s28  }
0x4e: {  	[tilespmem:s23], [sflag:$0x4] =	stream.indirect.gather [spmem:s2], $0x20, s31, s17, $0xb8;
	[tilespmem:$0x12B40] =	vst v63  }
0x4f: {  	p0 =	sne.s32 s28, $0x8800;
	_ =	swait.ge [sflag:s24], $0x1000  }
0x50: {  	[sflag:s24] =	ssyncset.done $0x0  }
0x51: {  	s28 =	sadd.s32 $0x2780, s19;
	[sflag:s24] =	ssyncadd.s32 $0xFFFFF000  }
0x52: {  	[spmem:s3] =	stream.indirect.scatter.add.f32 [tilespmem:s20], [sflag:$0x5], $0x20, s28, s17, $0xb8;
	[tilespmem:$0x12B40] =	vst v63  }
0x53: {  	_ =	swait.ge [sflag:s15], $0x1000  }
0x54: {  	[sflag:s15] =	ssyncset.done $0x0  }
0x55: {  	s28 =	sadd.s32 $0x200, s19;
	[sflag:s15] =	ssyncadd.s32 $0xFFFFF000  }
0x56: {  	[tilespmem:s20], [sflag:$0x1] =	stream.indirect.gather [spmem:s2], $0x20, s28, s17, $0xb8;
	[tilespmem:$0x12B40] =	vst v63  }
0x57: {  	_ =	swait.ge [sflag:s25], $0x1000  }
0x58: {  	[sflag:s25] =	ssyncset.done $0x0  }
0x59: {  	s28 =	sadd.s32 $0x2800, s19;
	[sflag:s25] =	ssyncadd.s32 $0xFFFFF000  }
0x5a: {  	[spmem:s3] =	stream.indirect.scatter.add.f32 [tilespmem:s21], [sflag:$0x5], $0x20, s28, s17, $0xb8;
	[tilespmem:$0x12B40] =	vst v63  }
0x5b: {  	_ =	swait.ge [sflag:s15], $0x1000  }
0x5c: {  	[sflag:s15] =	ssyncset.done $0x0  }
0x5d: {  	s28 =	sadd.s32 $0x280, s19;
	[sflag:s15] =	ssyncadd.s32 $0xFFFFF000  }
0x5e: {  	[tilespmem:s21], [sflag:$0x2] =	stream.indirect.gather [spmem:s2], $0x20, s28, s17, $0xb8;
	[tilespmem:$0x12B40] =	vst v63  }
0x5f: {  	_ =	swait.ge [sflag:s6], $0x1000  }
0x60: {  	[sflag:s6] =	ssyncset.done $0x0  }
0x61: {  	s28 =	sadd.s32 $0x2880, s19;
	[sflag:s6] =	ssyncadd.s32 $0xFFFFF000  }
0x62: {  	[spmem:s3] =	stream.indirect.scatter.add.f32 [tilespmem:s22], [sflag:$0x5], $0x20, s28, s17, $0xb8;
	[tilespmem:$0x12B40] =	vst v63  }
0x63: {  	_ =	swait.ge [sflag:s15], $0x1000  }
0x64: {  	[sflag:s15] =	ssyncset.done $0x0  }
0x65: {  	s28 =	sadd.s32 $0x300, s19;
	[sflag:s15] =	ssyncadd.s32 $0xFFFFF000  }
0x66: {  	[tilespmem:s22], [sflag:$0x3] =	stream.indirect.gather [spmem:s2], $0x20, s28, s17, $0xb8;
	[tilespmem:$0x12B40] =	vst v63  }
0x67: {  	_ =	swait.ge [sflag:s26], $0x1000  }
.Ltmp0:
0x68: {  	[sflag:s26] =	ssyncset.done $0x0;
	(pc) =	sbr.rel @p0 .LBB2_2-.Ltmp0, $4  }
0x69: {  	s19 =	sadd.s32 $0x2900, s19;
	[sflag:s26] =	ssyncadd.s32 $0xFFFFF000  }
0x6a: {  	[spmem:s3] =	stream.indirect.scatter.add.f32 [tilespmem:s23], [sflag:$0x5], $0x20, s19, s17, $0xb8;
	[tilespmem:$0x12B40] =	vst v63  }
0x6b: {  	_ =	swait.ge [sflag:s15], $0x1000  }
0x6c: {  	s28 =	smov.u32 s30;
	s19 =	sshra.s32 s29, $0x2;
	[sflag:s15] =	ssyncset.done $0x0  }
0x6d: {  	s28 =	sadd.s32 $0x180, s19;
	[sflag:s15] =	ssyncadd.s32 $0xFFFFF000  }
0x6e: {  	[tilespmem:s23], [sflag:$0x4] =	stream.indirect.gather [spmem:s2], $0x20, s28, s17, $0xb8;
	[tilespmem:$0x12B40] =	vst v63  }
0x6f: {  	_ =	swait.ge [sflag:s24], $0x1000  }
0x70: {  	[sflag:s24] =	ssyncset.done $0x0  }
0x71: {  	s28 =	sadd.s32 $0x2780, s19;
	[sflag:s24] =	ssyncadd.s32 $0xFFFFF000  }
0x72: {  	[spmem:s3] =	stream.indirect.scatter.add.f32 [tilespmem:s20], [sflag:$0x5], $0x20, s28, s17, $0xb8;
	[tilespmem:$0x12B40] =	vst v63  }
0x73: {  	_ =	swait.ge [sflag:s15], $0x1000  }
0x74: {  	[sflag:s15] =	ssyncset.done $0x0  }
0x75: {  	s28 =	sadd.s32 $0x200, s19;
	[sflag:s15] =	ssyncadd.s32 $0xFFFFF000  }
0x76: {  	[tilespmem:s20], [sflag:$0x1] =	stream.indirect.gather [spmem:s2], $0x20, s28, s17, $0xb8;
	[tilespmem:$0x12B40] =	vst v63  }
0x77: {  	_ =	swait.ge [sflag:s25], $0x1000  }
0x78: {  	[sflag:s25] =	ssyncset.done $0x0  }
0x79: {  	s28 =	sadd.s32 $0x2800, s19;
	[sflag:s25] =	ssyncadd.s32 $0xFFFFF000  }
0x7a: {  	[spmem:s3] =	stream.indirect.scatter.add.f32 [tilespmem:s21], [sflag:$0x5], $0x20, s28, s17, $0xb8;
	[tilespmem:$0x12B40] =	vst v63  }
0x7b: {  	_ =	swait.ge [sflag:s15], $0x1000  }
0x7c: {  	[sflag:s15] =	ssyncset.done $0x0  }
0x7d: {  	s28 =	sadd.s32 $0x280, s19;
	[sflag:s15] =	ssyncadd.s32 $0xFFFFF000  }
0x7e: {  	[tilespmem:s21], [sflag:$0x2] =	stream.indirect.gather [spmem:s2], $0x20, s28, s17, $0xb8;
	[tilespmem:$0x12B40] =	vst v63  }
0x7f: {  	_ =	swait.ge [sflag:s6], $0x1000  }
0x80: {  	[sflag:s6] =	ssyncset.done $0x0  }
0x81: {  	s28 =	sadd.s32 $0x2880, s19;
	[sflag:s6] =	ssyncadd.s32 $0xFFFFF000  }
0x82: {  	[spmem:s3] =	stream.indirect.scatter.add.f32 [tilespmem:s22], [sflag:$0x5], $0x20, s28, s17, $0xb8;
	[tilespmem:$0x12B40] =	vst v63  }
0x83: {  	_ =	swait.ge [sflag:s15], $0x1000  }
0x84: {  	[sflag:s15] =	ssyncset.done $0x0  }
0x85: {  	s28 =	sadd.s32 $0x300, s19;
	[sflag:s15] =	ssyncadd.s32 $0xFFFFF000  }
0x86: {  	[tilespmem:s22], [sflag:$0x3] =	stream.indirect.gather [spmem:s2], $0x20, s28, s17, $0xb8;
	[tilespmem:$0x12B40] =	vst v63  }
0x87: {  	_ =	swait.ge [sflag:s26], $0x1000  }
0x88: {  	[sflag:s26] =	ssyncset.done $0x0  }
0x89: {  	s31 =	sadd.s32 $0x2900, s19;
	[sflag:s26] =	ssyncadd.s32 $0xFFFFF000  }
0x8a: {  	[spmem:s3] =	stream.indirect.scatter.add.f32 [tilespmem:s23], [sflag:$0x5], $0x20, s31, s17, $0xb8;
	[tilespmem:$0x12B40] =	vst v63  }
0x8b: {  	_ =	swait.ge [sflag:s15], $0x1000  }
0x8c: {  	[sflag:s15] =	ssyncset.done $0x0  }
0x8d: {  	s30 =	simm.s32 $0x2580;
	[sflag:s15] =	ssyncadd.s32 $0xFFFFF000  }
0x8e: {  	[tilespmem:s23], [sflag:$0x4] =	stream.indirect.gather [spmem:s2], $0x20, s30, s17, $0xb8;
	[tilespmem:$0x12B40] =	vst v63  }
0x8f: {  	_ =	swait.ge [sflag:s24], $0x1000  }
0x90: {  	[sflag:s24] =	ssyncset.done $0x0  }
0x91: {  	s31 =	simm.s32 $0x4B80;
	[sflag:s24] =	ssyncadd.s32 $0xFFFFF000  }
0x92: {  	[spmem:s3] =	stream.indirect.scatter.add.f32 [tilespmem:s20], [sflag:$0x5], $0x20, s31, s17, $0xb8;
	[tilespmem:$0x12B40] =	vst v63  }
0x93: {  	_ =	swait.ge [sflag:s15], $0x1000  }
0x94: {  	[sflag:s15] =	ssyncset.done $0x0  }
0x95: {  	[sflag:s15] =	ssyncadd.s32 $0xFFFFF000  }
0x96: {  	_ =	swait.ge [sflag:s25], $0x1000  }
0x97: {  	[sflag:s25] =	ssyncset.done $0x0  }
0x98: {  	s30 =	simm.s32 $0x4C00;
	[sflag:s25] =	ssyncadd.s32 $0xFFFFF000  }
0x99: {  	[spmem:s3] =	stream.indirect.scatter.add.f32 [tilespmem:s21], [sflag:$0x5], $0x20, s30, s17, $0xb8;
	[tilespmem:$0x12B40] =	vst v63  }
0x9a: {  	_ =	swait.ge [sflag:s15], $0x1000  }
0x9b: {  	[sflag:s15] =	ssyncset.done $0x0  }
0x9c: {  	[sflag:s15] =	ssyncadd.s32 $0xFFFFF000  }
0x9d: {  	_ =	swait.ge [sflag:s6], $0x1000  }
0x9e: {  	[sflag:s6] =	ssyncset.done $0x0  }
0x9f: {  	s31 =	simm.s32 $0x4C80;
	[sflag:s6] =	ssyncadd.s32 $0xFFFFF000  }
0xa0: {  	[spmem:s3] =	stream.indirect.scatter.add.f32 [tilespmem:s22], [sflag:$0x5], $0x20, s31, s17, $0xb8;
	[tilespmem:$0x12B40] =	vst v63  }
0xa1: {  	_ =	swait.ge [sflag:s15], $0x1000  }
0xa2: {  	[sflag:s15] =	ssyncset.done $0x0  }
0xa3: {  	[sflag:s15] =	ssyncadd.s32 $0xFFFFF000  }
0xa4: {  	_ =	swait.ge [sflag:s26], $0x1000  }
0xa5: {  	[sflag:s26] =	ssyncset.done $0x0  }
0xa6: {  	[sflag:s26] =	ssyncadd.s32 $0xFFFFF000  }
0xa7: {  	[spmem:s3] =	stream.indirect.scatter.add.f32 [tilespmem:s23], [sflag:$0x5], $0x20, s1, s17, $0xb8;
	[tilespmem:$0x12B40] =	vst v63  }
0xa8: {  	_ =	swait.ge [sflag:s15], $0x1000  }
0xa9: {  	[sflag:s15] =	ssyncset.done $0x0  }
0xaa: {  	s19 =	simm.s32 $0x2600;
	[sflag:s15] =	ssyncadd.s32 $0xFFFFF000  }
0xab: {  	[tilespmem:s20], [sflag:$0x1] =	stream.indirect.gather [spmem:s2], $0x20, s19, s17, $0xb8;
	[tilespmem:$0x12B40] =	vst v63  }
0xac: {  	p0 =	sne.s32 s7, $0x1;
	_ =	swait.ge [sflag:s24], $0x1000  }
.Ltmp1:
0xad: {  	[sflag:s24] =	ssyncset.done $0x0;
	(pc) =	sbr.rel @!p0 .LBB2_5-.Ltmp1, $4  }
0xae: {  	s28 =	simm.s32 $0x4D80;
	[sflag:s24] =	ssyncadd.s32 $0xFFFFF000  }
0xaf: {  	[spmem:s3] =	stream.indirect.scatter.add.f32 [tilespmem:s20], [sflag:$0x5], $0x20, s28, s17, $0xb8;
	[tilespmem:$0x12B40] =	vst v63  }
0xb0: {  	_ =	swait.ge [sflag:s15], $0x1000  }
0xb1: {  	s29 =	sadd.s32 $0xFFFFFFFF, s7;
	[sflag:s15] =	ssyncset.done $0x0  }
.LBB2_4:
0xb2: {  	[sflag:s15] =	ssyncadd.s32 $0xFFFFF000;
	s19 =	sadd.s32 $0x80, s19;
	s28 =	sadd.s32 $0x80, s28  }
0xb3: {  	[tilespmem:s20], [sflag:$0x1] =	stream.indirect.gather [spmem:s2], $0x20, s19, s17, $0xb8;
	[tilespmem:$0x12B40] =	vst v63  }
0xb4: {  	p0 =	sne.s32 s29, $0x1;
	s29 =	sadd.s32 $0xFFFFFFFF, s29;
	_ =	swait.ge [sflag:s24], $0x1000  }
.Ltmp2:
0xb5: {  	[sflag:s24] =	ssyncset.done $0x0;
	(pc) =	sbr.rel @p0 .LBB2_4-.Ltmp2, $4  }
0xb6: {  	[sflag:s24] =	ssyncadd.s32 $0xFFFFF000  }
0xb7: {  	[spmem:s3] =	stream.indirect.scatter.add.f32 [tilespmem:s20], [sflag:$0x5], $0x20, s28, s17, $0xb8;
	[tilespmem:$0x12B40] =	vst v63  }
0xb8: {  	_ =	swait.ge [sflag:s15], $0x1000  }
0xb9: {  	[sflag:s15] =	ssyncset.done $0x0  }
.LBB2_5:
0xba: {  	s0 =	sadd.s32 $0x1, s0  }
0xbb: {  	[sflag:s15] =	ssyncadd.s32 $0xFFFFF000;
	p0 =	sne.s32 s0, s13  }
.Ltmp3:
0xbc: {  	[bflag:$0x0] =	sbarrier.arrive $0xFFFF;
	(pc) =	sbr.rel @p0 .LBB2_1-.Ltmp3, $4  }
0xbd: {  	[hbm:s12], [sflag:s9] =	dma.local [spmem:s16], $0xA00  }
0xbe: {  	_ =	swait.ge [sflag:s15], $0xA00  }
0xbf: {  	[sflag:s15] =	ssyncset.done $0x0  }
0xc0: {  	[sflag:s15] =	ssyncadd.s32 $0xFFFFF600  }
0xc1: {  	_ =	sfence.sel $0x180000  }
0xc2: {  	[bflag:$0x0] =	sbarrier.arrive $0xFFFF  }
0xc3: {  	_ =	strace $0x9000004A  }
0xc4: {  	s0 =	stileid.u32;
	[bflag:$0x2] =	sbarrier.arrive $0xFFFF  }
0xc5: {  	p0 =	sne.s32 s0, $0x0;
	s0 =	rddreg [dreg:$0x5]  }
0xc6: {  	s0 =	sadd.s32 @!p0 $0x100000, s0  }
0xc7: {  	[sflag:s0] =	ssyncadd.tile.s32 @!p0 $0x1;
	_ =	shalt  }
.Lfunc_end2:
_tile_overlayer_lowered:
.L_overlay_start_2:
0xc8: {  	(tag) =	ssettag $0x2  }
0xc9: {  	s0 =	rddreg [dreg:$0x0];
	s2 =	stileid.u32  }
0xca: {  	s1 =	rddreg [dreg:$0x1];
	p0 =	sne.s32 s2, $0x0  }
0xcb: {  	s3 =	rddreg [dreg:$0x2];
	[bflag:$0x3] =	sbarrier.arrive $0xFFFF;
	s2 =	simm.s32 @!p0 $0x1C05  }
0xcc: {  	[timem:s3], [sflag:s2] =	dma.local @!p0 [hbm:s0], s1  }
0xcd: {  	s0 =	simm.s32 @!p0 $0x5  }
0xce: {  	_ =	swait.ge @!p0 [sflag:s0], s1  }
0xcf: {  	s1 =	ssub.s32 @!p0 $0x0, s1;
	[sflag:s0] =	ssyncset.done @!p0 $0x0  }
0xd0: {  	[sflag:s0] =	ssyncadd.s32 @!p0 s1  }
0xd1: {  	[bflag:$0x3] =	sbarrier.arrive $0xFFFF  }
0xd2: {  	_ =	shalt  }

// kernel: kernel.7.cloned.1.call-start
scs
__scs_entry_jumppad:
0x0: {  	(pc) =	sbr.rel $0x88, $3  }
0x1: {  	(tag) =	ssettag $0x0;
	lr =	simm.s32 $0x1  }
0x2: {  	[smem:$0x3F99] =	sst lr;
	_ =	strace $0xD0000000  }
0x3: {  	_ = 	snop  }
0x4: {  	_ = 	snop  }
0x5: {  	_ = 	snop  }
0x6: {  	_ = 	snop  }
0x7: {  	_ = 	snop  }
__scs_overlays_trampoline_lowered:
0x8: {  	[smem:$0x3FA8] =	sst s0  }
0x9: {  	[smem:$0x3FA9] =	sst s1  }
0xa: {  	[smem:$0x3FAA] =	sst s2  }
0xb: {  	[smem:$0x3FAB] =	sst s3  }
0xc: {  	[smem:$0x3FAC] =	sst s4  }
0xd: {  	[smem:$0x3FAD] =	sst s5  }
0xe: {  	[smem:$0x3FAE] =	sst s6  }
0xf: {  	[smem:$0x3FAF] =	sst s7  }
0x10: {  	[smem:$0x3FB0] =	sst s8  }
0x11: {  	[smem:$0x3FB1] =	sst s9;
	s0 =	simm.s32 @!p0 $0x0  }
0x12: {  	s1 =	sld [smem:$0x3F97];
	s0 =	simm.s32 @p0 $0x1  }
0x13: {  	[smem:$0x3FB2] =	sst s0;
	s0 =	simm.s32 @!p1 $0x0  }
0x14: {  	s2 =	sld [smem:$0x3F96];
	s0 =	simm.s32 @p1 $0x1  }
0x15: {  	[smem:$0x3FB3] =	sst s0;
	s0 =	simm.s32 @!p2 $0x0  }
0x16: {  	s3 =	sld [smem:$0x3FDB];
	s0 =	simm.s32 @p2 $0x1  }
0x17: {  	s4 =	simm.s32 $0x1BF5;
	[smem:$0x3FB5] =	sst s0  }
0x18: {  	s0 =	sld [smem:$0x3F98];
	_ =	swait.ge [sflag:s4], $0x0  }
0x19: {  	s7 =	sld [smem:$0x3F99]  }
0x1a: {  	s8 =	sadd.s32 $0xFFFFE003, lr  }
0x1b: {  	s9 =	sadd.s32 $0xFFFFFEF7, lr;
	s5 =	simm.s32 $0xFFFFFFFF;
	p2 =	slt.u32 s8, $0xFFFFF086  }
0x1c: {  	p1 =	slt.u32 s9, $0xF7A;
	s5 =	simm.s32 @!p2 $0x0  }
0x1d: {  	s5 =	simm.s32 @p1 $0x1;
	p0 =	seq.s32 s7, s2  }
0x1e: {  	s7 =	smul.u32 @!p0 $0xF7A, s2;
	p2 =	seq.s32 @!p0 s5, $0x0  }
0x1f: {  	s9 =	smul.u32 $0xF7A, s1;
	s8 =	simm.s32 @!p0 $0x1BF5;
	p2 =	por !p2, p0  }
0x20: {  	[sflag:s8] =	ssyncset.s32 @!p0 $0xFFFFF086;
	s6 =	sadd.s32 @!p0 s3, s7;
	s7 =	simm.s32 @!p0 $0x108  }
0x21: {  	s3 =	sadd.s32 s3, s9;
	s6 =	sadd.s32 @!p0 $0x88, s6;
	s7 =	simm.s32 @p2 $0x1082  }
0x22: {  	[simem:s7], [sflag:s8] =	dma.local @!p0 [hbm:s6], $0xF7A  }
0x23: {  	s9 =	sor.u32 $0xD0000000, s2;
	s6 =	simm.s32 $0x108;
	_ =	swait.ge @!p0 [sflag:s8], $0x0  }
0x24: {  	s3 =	sadd.s32 $0x88, s3;
	s6 =	simm.s32 @!p1 $0x1082;
	[sflag:s4] =	ssyncset.s32 $0xFFFFF086  }
0x25: {  	[simem:s6], [sflag:s4] =	dma.local [hbm:s3], $0xF7A  }
0x26: {  	[smem:$0x3F99] =	sst s1;
	(tag) =	ssettag s2;
	_ =	strace s9  }
0x27: {  	s1 =	sld [smem:$0x3FA9]  }
0x28: {  	s2 =	sld [smem:$0x3FAA]  }
0x29: {  	s4 =	sld [smem:$0x3FAC]  }
0x2a: {  	p0 =	seq.s32 s5, $0x0;
	s5 =	sld [smem:$0x3FAD]  }
0x2b: {  	s6 =	sld [smem:$0x3FAE]  }
0x2c: {  	s7 =	sld [smem:$0x3FAF]  }
0x2d: {  	s3 =	simm.s32 $0x108;
	s8 =	sld [smem:$0x3FB0]  }
0x2e: {  	s3 =	simm.s32 @!p0 $0x1082;
	s9 =	sld [smem:$0x3FB1]  }
0x2f: {  	lr =	sadd.s32 s0, s3;
	s0 =	sld [smem:$0x3FA8]  }
0x30: {  	s3 =	sld [smem:$0x3FAB]  }
0x31: {  	[smem:$0x3FB4] =	sst s10  }
0x32: {  	s10 =	sld [smem:$0x3FB2];
	_ =	sdelay $0x3  }
0x33: {  	p0 =	seq.s32 s10, $0x1;
	s10 =	sld [smem:$0x3FB4];
	_ =	sdelay $0x3  }
0x34: {  	[smem:$0x3FB4] =	sst s10  }
0x35: {  	s10 =	sld [smem:$0x3FB3];
	_ =	sdelay $0x3  }
0x36: {  	p1 =	seq.s32 s10, $0x1;
	s10 =	sld [smem:$0x3FB4];
	_ =	sdelay $0x3  }
0x37: {  	[smem:$0x3FB4] =	sst s10  }
0x38: {  	s10 =	sld [smem:$0x3FB5]  }
0x39: {  	_ = 	snop;
	(pc) =	sbr.ind lr, $3  }
0x3a: {  	_ = 	snop  }
0x3b: {  	_ = 	snop  }
0x3c: {  	p2 =	seq.s32 s10, $0x1;
	s10 =	sld [smem:$0x3FB4]  }
0x3d: {  	_ =	shalt  }
0x3e: {  	_ =	shalt  }
0x3f: {  	_ =	shalt  }
0x40: {  	_ =	shalt  }
0x41: {  	_ =	shalt  }
0x42: {  	_ =	shalt  }
0x43: {  	_ =	shalt  }
0x44: {  	_ =	shalt  }
0x45: {  	_ =	shalt  }
0x46: {  	_ =	shalt  }
0x47: {  	_ =	shalt  }
0x48: {  	_ =	shalt  }
0x49: {  	_ =	shalt  }
0x4a: {  	_ =	shalt  }
0x4b: {  	_ =	shalt  }
0x4c: {  	_ =	shalt  }
0x4d: {  	_ =	shalt  }
0x4e: {  	_ =	shalt  }
0x4f: {  	_ =	shalt  }
0x50: {  	_ =	shalt  }
0x51: {  	_ =	shalt  }
0x52: {  	_ =	shalt  }
0x53: {  	_ =	shalt  }
0x54: {  	_ =	shalt  }
0x55: {  	_ =	shalt  }
0x56: {  	_ =	shalt  }
0x57: {  	_ =	shalt  }
0x58: {  	_ =	shalt  }
0x59: {  	_ =	shalt  }
0x5a: {  	_ =	shalt  }
0x5b: {  	_ =	shalt  }
0x5c: {  	_ =	shalt  }
0x5d: {  	_ =	shalt  }
0x5e: {  	_ =	shalt  }
0x5f: {  	_ =	shalt  }
0x60: {  	_ =	shalt  }
0x61: {  	_ =	shalt  }
0x62: {  	_ =	shalt  }
0x63: {  	_ =	shalt  }
0x64: {  	_ =	shalt  }
0x65: {  	_ =	shalt  }
0x66: {  	_ =	shalt  }
0x67: {  	_ =	shalt  }
0x68: {  	_ =	shalt  }
0x69: {  	_ =	shalt  }
0x6a: {  	_ =	shalt  }
0x6b: {  	_ =	shalt  }
0x6c: {  	_ =	shalt  }
0x6d: {  	_ =	shalt  }
0x6e: {  	_ =	shalt  }
0x6f: {  	_ =	shalt  }
0x70: {  	_ =	shalt  }
0x71: {  	_ =	shalt  }
0x72: {  	_ =	shalt  }
0x73: {  	_ =	shalt  }
0x74: {  	_ =	shalt  }
0x75: {  	_ =	shalt  }
0x76: {  	_ =	shalt  }
0x77: {  	_ =	shalt  }
0x78: {  	_ =	shalt  }
0x79: {  	_ =	shalt  }
0x7a: {  	_ =	shalt  }
0x7b: {  	_ =	shalt  }
0x7c: {  	_ =	shalt  }
0x7d: {  	_ =	shalt  }
0x7e: {  	_ =	shalt  }
0x7f: {  	_ =	shalt  }
0x80: {  	_ =	shalt  }
0x81: {  	_ =	shalt  }
0x82: {  	_ =	shalt  }
0x83: {  	_ =	shalt  }
0x84: {  	_ =	shalt  }
0x85: {  	_ =	shalt  }
0x86: {  	_ =	shalt  }
0x87: {  	_ =	shalt  }
.Lfunc_end0:
.L_simem_size_0:
called_computation_lowered:
.L_overlay_start_0:
0x88: {  	s2 =	sld [smem:$0x3FD9]  }
0x89: {  	s3 =	sld [smem:$0x3FFE];
	_ =	sdelay $0x1  }
0x8a: {  	s1 =	srdreg.scid  }
0x8b: {  	s0 =	sand.u32 $0x1, s1  }
0x8c: {  	s17 =	sshll.u32 s0, $0xA;
	s2 =	sadd.s32 s3, s2  }
0x8d: {  	s2 =	sadd.s32 s2, s17  }
0x8e: {  	[smem:$0x3FC0] =	sst s2  }
0x8f: {  	_ = 	snop  }
0x90: {  	s2 =	sld [smem:$0x3FC8]  }
0x91: {  	s18 =	sld [smem:$0x3FD0];
	(tm) =	ssettm $0x1  }
0x92: {  	s4 =	sld [smem:$0x3FFB];
	_ =	sdelay $0x3  }
0x93: {  	_ =	strace s4  }
0x94: {  	s4 =	sld [smem:$0x3FFC];
	_ =	sdelay $0x3  }
0x95: {  	_ =	strace s4  }
0x96: {  	s4 =	sld [smem:$0x3FFD];
	_ =	sdelay $0x3  }
0x97: {  	_ =	strace s4  }
0x98: {  	_ =	strace $0x8FFFFFFF  }
0x99: {  	s19 =	sld [smem:$0x3FDB];
	_ =	sdelay $0x1  }
0x9a: {  	s5 =	simm.s32 $_scs_section_size  }
0x9b: {  	s6 =	simm.s32 $_size__tile_overlayer_lowered;
	s7 =	simm.s32 $_tile_overlayer_lowered  }
0x9c: {  	s22 =	simm.s32 $0x1BFF;
	s21 =	sshll.u32 s7, $0x1;
	s4 =	sadd.s32 s5, s19  }
0x9d: {  	s8 =	simm.s32 $0x0;
	s20 =	sshll.u32 s6, $0x1;
	s6 =	sadd.s32 s21, s4  }
0x9e: {  	[timem:s8], [sflag:s22] =	dma.local [hbm:s6], s20  }
0x9f: {  	_ =	swait.ge [sflag:s22], s20  }
0xa0: {  	s5 =	ssub.s32 $0x0, s20;
	[sflag:s22] =	ssyncset.done $0x0  }
0xa1: {  	[sflag:s22] =	ssyncadd.s32 s5;
	_ =	sdelay $0x1  }
0xa2: {  	s23 =	simm.s32 $0x1B8B  }
0xa3: {  	_ =	swait.ge [sflag:s23], $0x1  }
0xa4: {  	[sflag:s23] =	ssyncset.done $0x0  }
0xa5: {  	s25 =	simm.s32 $0x1B8E;
	s24 =	sld [smem:$0x3FFE];
	[sflag:s23] =	ssyncadd.s32 $0xFFFFFFFF  }
0xa6: {  	s26 =	simm.s32 $execute0_lowered;
	[smem:$0x3FD2] =	sst s25  }
0xa7: {  	s6 =	sshll.u32 s26, $0x1;
	_ =	strace $0x80000046;
	[dreg:$0x1] =	wrdreg $0xFFFFFFFF  }
0xa8: {  	s28 =	simm.s32 $_size_execute0_lowered;
	s4 =	sadd.s32 s4, s6;
	[dreg:$0x0] =	wrdreg $0x0  }
0xa9: {  	s6 =	sshll.u32 s28, $0x1;
	[dreg:$0x2] =	wrdreg s4  }
0xaa: {  	[dreg:$0x3] =	wrdreg s6  }
0xab: {  	[dreg:$0x4] =	wrdreg $0xC0  }
0xac: {  	_ =	task [dreg:s8], $0x5FFFF  }
0xad: {  	[dreg:$0x1] =	wrdreg $0xFFFFFFFF  }
0xae: {  	[dreg:$0x0] =	wrdreg $0x60  }
0xaf: {  	[dreg:$0x2] =	wrdreg s18  }
0xb0: {  	[dreg:$0x3] =	wrdreg s24  }
0xb1: {  	[dreg:$0x4] =	wrdreg s2  }
0xb2: {  	[dreg:$0x5] =	wrdreg $0xDD200  }
0xb3: {  	[dreg:$0x6] =	wrdreg $0x8F000  }
0xb4: {  	[dreg:$0x7] =	wrdreg $0x133400  }
0xb5: {  	[dreg:$0x8] =	wrdreg $0x9  }
0xb6: {  	_ =	task.clear_ibuf [dreg:s8], $0x9FFFF;
	_ =	strace $0x90000046  }
0xb7: {  	s29 =	simm.s32 $0x9;
	_ =	strace $0x80000048  }
0xb8: {  	_ =	swait.ge [sflag:s29], $0x1  }
0xb9: {  	[sflag:s29] =	ssyncadd.s32 $0xFFFFFFFF  }
0xba: {  	_ =	strace $0x90000048  }
0xbb: {  	_ =	sfence  }
0xbc: {  	s30 =	sld [smem:$0x0];
	_ =	sdelay $0x2  }
0xbd: {  	s31 =	sshll.u32 s1, $0xD;
	s1 =	sshrl.u32 s1, $0x2  }
0xbe: {  	s3 =	sand.u32 $0x4000, s31;
	s1 =	sadd.s32 s1, s30  }
0xbf: {  	s0 =	sor.u32 s3, s0;
	s1 =	sshll.u32 s1, $0x11  }
0xc0: {  	s0 =	sor.u32 s1, s0  }
0xc1: {  	s0 =	sadd.s32 $0x8F2B, s0  }
0xc2: {  	[sflag:s0] =	ssyncadd.remote.s32 $0x1  }
0xc3: {  	_ =	sfence.sel $0xFFFF  }
0xc4: {  	[dreg:$0x0] =	wrdreg $0xFFFFFFFF;
	(pc) =	sbr.abs _section_cstart, $3  }
0xc5: {  	[dreg:$0x1] =	wrdreg $0xFFFFFFFF  }
0xc6: {  	_ =	task.clear_ibuf [dreg:s8], $0x2FFFF;
	_ =	strace $0x9FFFFFFF  }
0xc7: {  	(tm) =	ssettm $0x7FFFFFFF  }
tec
execute0_lowered:
.L_overlay_start_1:
0x0: {  	(tag) =	ssettag $0x1  }
0x1: {  	s0 =	rddreg [dreg:$0x0]  }
0x2: {  	s2 =	rddreg [dreg:$0x1]  }
0x3: {  	s6 =	rddreg [dreg:$0x2]  }
0x4: {  	s1 =	rddreg [dreg:$0x3]  }
0x5: {  	s3 =	rddreg [dreg:$0x4]  }
0x6: {  	s4 =	rddreg [dreg:$0x5];
	s7 =	srdreg.scid  }
0x7: {  	s15 =	stileid.u32;
	s5 =	simm.s32 $0x0;
	s28 =	simm.s32 $0x4F00  }
0x8: {  	s29 =	simm.s32 $0x5F00;
	s30 =	simm.s32 $0x6F00;
	s7 =	sand.u32 $0x1, s7  }
0x9: {  	s8 =	smul.u32 $0x4E00, s15;
	[smem:$0x7FF] =	sst s5;
	s10 =	sadd.s32 $0x2400, s2  }
0xa: {  	s14 =	sadd.s32 $0x2E00, s2;
	s16 =	sadd.s32 $0x3400, s2;
	s11 =	sshll.u32 s15, $0x1  }
0xb: {  	p0 =	sgt.u32 s15, $0xD;
	_ =	strace $0x80000047;
	[dreg:$0x7] =	wrdreg s10  }
0xc: {  	s13 =	sshll.u32 s15, $0x6;
	s15 =	smul.u32 $0x9C00, s15;
	[dreg:$0x8] =	wrdreg s14  }
0xd: {  	s31 =	simm.s32 $0x7F00;
	s9 =	smul.u32 $0x4E200, s7;
	[dreg:$0x9] =	wrdreg s16  }
0xe: {  	s17 =	ssub.s32 $0x2, s7;
	s7 =	sor.u32 s7, s11;
	s10 =	simm.s32 $0x3  }
0xf: {  	s11 =	simm.s32 $0x4D00;
	s18 =	sshrl.u32 s17, $0x1;
	s12 =	smul.u32 $0x4E, s7  }
0x10: {  	s7 =	smax.u32 s7, $0x1C;
	s10 =	simm.s32 @!p0 $0x2;
	s14 =	sadd.s32 s8, s1  }
0x11: {  	s20 =	sshrl.u32 s8, $0x3;
	s21 =	sadd.s32 s8, s3;
	s22 =	sshrl.u32 s15, $0x2  }
0x12: {  	s15 =	simm.s32 $0x0;
	s9 =	sadd.s32 s8, s9;
	s19 =	ssub.s32 s17, s18  }
0x13: {  	s0 =	sadd.s32 s0, s20;
	s25 =	sshrl.u32 s14, $0x3;
	s20 =	simm.s32 $0x6  }
0x14: {  	s21 =	sshrl.u32 s21, $0x3;
	s8 =	simm.s32 $0x4C80;
	s14 =	simm.s32 $0x5  }
0x15: {  	s9 =	sshrl.u32 s9, $0x3;
	s7 =	sadd.s32 s12, s7;
	[dreg:$0xa] =	wrdreg s0  }
0x16: {  	s12 =	sor.u32 $0x1C06, s13;
	s13 =	sadd.s32 s22, s4;
	s24 =	smax.u32 s19, $0x1  }
0x17: {  	[dreg:$0x10] =	wrdreg s25;
	s25 =	simm.s32 $0x100;
	s0 =	simm.s32 $0x1  }
0x18: {  	s2 =	sadd.s32 s9, s2;
	s9 =	simm.s32 $0x3;
	s7 =	sshll.u32 s7, $0x5  }
0x19: {  	[dreg:$0xf] =	wrdreg s24;
	s26 =	sshrl.u32 s13, $0x3;
	s24 =	simm.s32 $0x80  }
0x1a: {  	s6 =	sadd.s32 s6, s7;
	s23 =	sadd.s32 $0x3600, s2;
	[dreg:$0x11] =	wrdreg s26  }
0x1b: {  	s2 =	sadd.s32 $0x17000, s2;
	s26 =	simm.s32 $0x4;
	[dreg:$0xd] =	wrdreg s23  }
0x1c: {  	s7 =	sadd.s32 $0xFFFFFC80, s6;
	s6 =	sadd.s32 $0xFFFFFC90, s6;
	[dreg:$0xe] =	wrdreg s2  }
0x1d: {  	s23 =	simm.s32 $0x12B40;
	s2 =	simm.s32 $0x2;
	[dreg:$0xb] =	wrdreg s7  }
0x1e: {  	[dreg:$0xc] =	wrdreg s6;
	s6 =	simm.s32 $0x4B80;
	s7 =	simm.s32 $0x4C00  }
.LBB2_1:
0x1f: {  	s16 =	rddreg [dreg:$0xa]  }
0x20: {  	s17 =	rddreg [dreg:$0x10]  }
0x21: {  	[spmem:s17], [sflag:s12] =	dma.local [hbm:s16], $0xA00  }
0x22: {  	_ =	swait.ge [sflag:s20], $0xA00  }
0x23: {  	[sflag:s20] =	ssyncset.done $0x0  }
0x24: {  	s18 =	rddreg [dreg:$0x7];
	[sflag:s20] =	ssyncadd.s32 $0xFFFFF600  }
0x25: {  	[spmem:s21], [sflag:s12] =	dma.local [hbm:s18], $0xA00  }
0x26: {  	_ =	swait.ge [sflag:s20], $0xA00  }
0x27: {  	[sflag:s20] =	ssyncset.done $0x0;
	s19 =	rddreg [dreg:$0x8]  }
0x28: {  	s22 =	rddreg [dreg:$0x11];
	[sflag:s20] =	ssyncadd.s32 $0xFFFFF600  }
0x29: {  	[spmem:s22], [sflag:s12] =	dma.local [hbm:s19], $0x500  }
0x2a: {  	_ =	swait.ge [sflag:s20], $0x500  }
0x2b: {  	[sflag:s20] =	ssyncset.done $0x0  }
0x2c: {  	s17 =	rddreg [dreg:$0x9];
	[sflag:s20] =	ssyncadd.s32 $0xFFFFFB00  }
0x2d: {  	[tilespmem:s23], [sflag:$0x6] =	stream.linear.gather [hbm4b:s17+s5], $0x800, $0x38;
	[tilespmem:$0x1D250] =	vst v63  }
0x2e: {  	_ =	swait.ge [sflag:s20], $0x800  }
0x2f: {  	[sflag:s20] =	ssyncset.done $0x0  }
0x30: {  	s18 =	rddreg [dreg:$0xb];
	[sflag:s20] =	ssyncadd.s32 $0xFFFFF800  }
0x31: {  	[tilespmem:s5], [sflag:$0x6] =	stream.strided.gather [hbm4b:s18+s24], $0x2780, s25, s24, $0x38;
	[tilespmem:$0x1D250] =	vst v63  }
0x32: {  	_ =	swait.ge [sflag:s20], $0x2780  }
0x33: {  	[sflag:s20] =	ssyncset.done $0x0  }
0x34: {  	s22 =	simm.s32 $0x2780;
	s19 =	rddreg [dreg:$0xc];
	[sflag:s20] =	ssyncadd.s32 $0xFFFFD880  }
0x35: {  	[tilespmem:s22], [sflag:$0x6] =	stream.strided.gather [hbm4b:s19+s24], $0x2780, s25, s24, $0x38;
	[tilespmem:$0x1D250] =	vst v63  }
0x36: {  	_ =	swait.ge [sflag:s20], $0x2780  }
0x37: {  	[sflag:s20] =	ssyncset.done $0x0  }
0x38: {  	[sflag:s20] =	ssyncadd.s32 $0xFFFFD880  }
0x39: {  	[bflag:$0x0] =	sbarrier.arrive $0xFFFF  }
0x3a: {  	[tilespmem:s28], [sflag:$0x1] =	stream.indirect.gather [spmem:s1], $0x20, s5, s24, $0xb8;
	[tilespmem:$0x1D250] =	vst v63  }
0x3b: {  	_ = 	snop  }
0x3c: {  	[tilespmem:s29], [sflag:$0x2] =	stream.indirect.gather [spmem:s1], $0x20, s24, s24, $0xb8;
	[tilespmem:$0x1D250] =	vst v63  }
0x3d: {  	_ = 	snop  }
0x3e: {  	[tilespmem:s30], [sflag:$0x3] =	stream.indirect.gather [spmem:s1], $0x20, s25, s24, $0xb8;
	[tilespmem:$0x1D250] =	vst v63  }
0x3f: {  	s18 =	simm.s32 $0x180  }
0x40: {  	[tilespmem:s31], [sflag:$0x4] =	stream.indirect.gather [spmem:s1], $0x20, s18, s24, $0xb8;
	[tilespmem:$0x1D250] =	vst v63  }
0x41: {  	_ =	swait.ge [sflag:s0], $0x1000  }
0x42: {  	[sflag:s0] =	ssyncset.done $0x0  }
0x43: {  	s19 =	simm.s32 $0x2780;
	[sflag:s0] =	ssyncadd.s32 $0xFFFFF000  }
0x44: {  	[spmem:s3] =	stream.indirect.scatter.add.f32 [tilespmem:s28], [sflag:$0x6], $0x20, s19, s24, $0xb8;
	[tilespmem:$0x1D250] =	vst v63  }
0x45: {  	_ =	swait.ge [sflag:s20], $0x1000  }
0x46: {  	[sflag:s20] =	ssyncset.done $0x0  }
0x47: {  	[sflag:s20] =	ssyncadd.s32 $0xFFFFF000  }
0x48: {  	[spmem:s4] =	stream.indirect.scatter.add.f32 [tilespmem:s23], [sflag:$0x5], $0x10, s19, s24, $0xb8;
	[tilespmem:$0x1D250] =	vst v63  }
0x49: {  	s22 =	simm.s32 $0x200  }
0x4a: {  	[tilespmem:s28], [sflag:$0x1] =	stream.indirect.gather [spmem:s1], $0x20, s22, s24, $0xb8;
	[tilespmem:$0x1D250] =	vst v63  }
0x4b: {  	_ =	swait.ge [sflag:s2], $0x1000  }
0x4c: {  	[sflag:s2] =	ssyncset.done $0x0  }
0x4d: {  	s17 =	simm.s32 $0x2800;
	[sflag:s2] =	ssyncadd.s32 $0xFFFFF000  }
0x4e: {  	[spmem:s3] =	stream.indirect.scatter.add.f32 [tilespmem:s29], [sflag:$0x6], $0x20, s17, s24, $0xb8;
	[tilespmem:$0x1D250] =	vst v63  }
0x4f: {  	_ =	swait.ge [sflag:s20], $0x1000  }
0x50: {  	[sflag:s20] =	ssyncset.done $0x0  }
0x51: {  	[sflag:s20] =	ssyncadd.s32 $0xFFFFF000  }
0x52: {  	[spmem:s4] =	stream.indirect.scatter.add.f32 [tilespmem:s23], [sflag:$0x5], $0x10, s17, s24, $0xb8;
	[tilespmem:$0x1D250] =	vst v63  }
0x53: {  	s18 =	simm.s32 $0x280  }
0x54: {  	[tilespmem:s29], [sflag:$0x2] =	stream.indirect.gather [spmem:s1], $0x20, s18, s24, $0xb8;
	[tilespmem:$0x1D250] =	vst v63  }
0x55: {  	_ =	swait.ge [sflag:s9], $0x1000  }
0x56: {  	[sflag:s9] =	ssyncset.done $0x0  }
0x57: {  	s19 =	simm.s32 $0x2880;
	[sflag:s9] =	ssyncadd.s32 $0xFFFFF000  }
0x58: {  	[spmem:s3] =	stream.indirect.scatter.add.f32 [tilespmem:s30], [sflag:$0x6], $0x20, s19, s24, $0xb8;
	[tilespmem:$0x1D250] =	vst v63  }
0x59: {  	_ =	swait.ge [sflag:s20], $0x1000  }
0x5a: {  	[sflag:s20] =	ssyncset.done $0x0  }
0x5b: {  	[sflag:s20] =	ssyncadd.s32 $0xFFFFF000  }
0x5c: {  	[spmem:s4] =	stream.indirect.scatter.add.f32 [tilespmem:s23], [sflag:$0x5], $0x10, s19, s24, $0xb8;
	[tilespmem:$0x1D250] =	vst v63  }
0x5d: {  	s22 =	simm.s32 $0x300  }
0x5e: {  	[tilespmem:s30], [sflag:$0x3] =	stream.indirect.gather [spmem:s1], $0x20, s22, s24, $0xb8;
	[tilespmem:$0x1D250] =	vst v63  }
0x5f: {  	_ =	swait.ge [sflag:s26], $0x1000  }
0x60: {  	[sflag:s26] =	ssyncset.done $0x0  }
0x61: {  	s19 =	simm.s32 $0x2900;
	[sflag:s26] =	ssyncadd.s32 $0xFFFFF000  }
0x62: {  	[spmem:s3] =	stream.indirect.scatter.add.f32 [tilespmem:s31], [sflag:$0x6], $0x20, s19, s24, $0xb8;
	[tilespmem:$0x1D250] =	vst v63  }
0x63: {  	_ =	swait.ge [sflag:s20], $0x1000  }
0x64: {  	[sflag:s20] =	ssyncset.done $0x0  }
0x65: {  	s16 =	simm.s32 $0x200;
	s17 =	simm.s32 $0x1000;
	[sflag:s20] =	ssyncadd.s32 $0xFFFFF000  }
.LBB2_2:
0x66: {  	[spmem:s4] =	stream.indirect.scatter.add.f32 [tilespmem:s23], [sflag:$0x5], $0x10, s19, s24, $0xb8;
	[tilespmem:$0x1D250] =	vst v63  }
0x67: {  	s18 =	smov.u32 s17  }
0x68: {  	s22 =	sadd.s32 $0x800, s17;
	s19 =	sadd.s32 $0x180, s16;
	s18 =	sshra.s32 s18, $0x2  }
0x69: {  	[tilespmem:s31], [sflag:$0x4] =	stream.indirect.gather [spmem:s1], $0x20, s19, s24, $0xb8;
	[tilespmem:$0x1D250] =	vst v63  }
0x6a: {  	p0 =	sne.s32 s17, $0x8800;
	_ =	swait.ge [sflag:s0], $0x1000  }
0x6b: {  	[sflag:s0] =	ssyncset.done $0x0  }
0x6c: {  	s17 =	sadd.s32 $0x2780, s16;
	[sflag:s0] =	ssyncadd.s32 $0xFFFFF000  }
0x6d: {  	[spmem:s3] =	stream.indirect.scatter.add.f32 [tilespmem:s28], [sflag:$0x6], $0x20, s17, s24, $0xb8;
	[tilespmem:$0x1D250] =	vst v63  }
0x6e: {  	_ =	swait.ge [sflag:s20], $0x1000  }
0x6f: {  	[sflag:s20] =	ssyncset.done $0x0  }
0x70: {  	[sflag:s20] =	ssyncadd.s32 $0xFFFFF000  }
0x71: {  	[spmem:s4] =	stream.indirect.scatter.add.f32 [tilespmem:s23], [sflag:$0x5], $0x10, s17, s24, $0xb8;
	[tilespmem:$0x1D250] =	vst v63  }
0x72: {  	s17 =	sadd.s32 $0x200, s16  }
0x73: {  	[tilespmem:s28], [sflag:$0x1] =	stream.indirect.gather [spmem:s1], $0x20, s17, s24, $0xb8;
	[tilespmem:$0x1D250] =	vst v63  }
0x74: {  	_ =	swait.ge [sflag:s2], $0x1000  }
0x75: {  	[sflag:s2] =	ssyncset.done $0x0  }
0x76: {  	s17 =	sadd.s32 $0x2800, s16;
	[sflag:s2] =	ssyncadd.s32 $0xFFFFF000  }
0x77: {  	[spmem:s3] =	stream.indirect.scatter.add.f32 [tilespmem:s29], [sflag:$0x6], $0x20, s17, s24, $0xb8;
	[tilespmem:$0x1D250] =	vst v63  }
0x78: {  	_ =	swait.ge [sflag:s20], $0x1000  }
0x79: {  	[sflag:s20] =	ssyncset.done $0x0  }
0x7a: {  	[sflag:s20] =	ssyncadd.s32 $0xFFFFF000  }
0x7b: {  	[spmem:s4] =	stream.indirect.scatter.add.f32 [tilespmem:s23], [sflag:$0x5], $0x10, s17, s24, $0xb8;
	[tilespmem:$0x1D250] =	vst v63  }
0x7c: {  	s17 =	sadd.s32 $0x280, s16  }
0x7d: {  	[tilespmem:s29], [sflag:$0x2] =	stream.indirect.gather [spmem:s1], $0x20, s17, s24, $0xb8;
	[tilespmem:$0x1D250] =	vst v63  }
0x7e: {  	_ =	swait.ge [sflag:s9], $0x1000  }
0x7f: {  	[sflag:s9] =	ssyncset.done $0x0  }
0x80: {  	s17 =	sadd.s32 $0x2880, s16;
	[sflag:s9] =	ssyncadd.s32 $0xFFFFF000  }
0x81: {  	[spmem:s3] =	stream.indirect.scatter.add.f32 [tilespmem:s30], [sflag:$0x6], $0x20, s17, s24, $0xb8;
	[tilespmem:$0x1D250] =	vst v63  }
0x82: {  	_ =	swait.ge [sflag:s20], $0x1000  }
0x83: {  	[sflag:s20] =	ssyncset.done $0x0  }
0x84: {  	[sflag:s20] =	ssyncadd.s32 $0xFFFFF000  }
0x85: {  	[spmem:s4] =	stream.indirect.scatter.add.f32 [tilespmem:s23], [sflag:$0x5], $0x10, s17, s24, $0xb8;
	[tilespmem:$0x1D250] =	vst v63  }
0x86: {  	s17 =	sadd.s32 $0x300, s16  }
0x87: {  	[tilespmem:s30], [sflag:$0x3] =	stream.indirect.gather [spmem:s1], $0x20, s17, s24, $0xb8;
	[tilespmem:$0x1D250] =	vst v63  }
0x88: {  	_ =	swait.ge [sflag:s26], $0x1000  }
0x89: {  	[sflag:s26] =	ssyncset.done $0x0  }
.Ltmp0:
0x8a: {  	s19 =	sadd.s32 $0x2900, s16;
	[sflag:s26] =	ssyncadd.s32 $0xFFFFF000;
	(pc) =	sbr.rel @p0 .LBB2_2-.Ltmp0, $4  }
0x8b: {  	[spmem:s3] =	stream.indirect.scatter.add.f32 [tilespmem:s31], [sflag:$0x6], $0x20, s19, s24, $0xb8;
	[tilespmem:$0x1D250] =	vst v63  }
0x8c: {  	s16 =	smov.u32 s18;
	_ =	swait.ge [sflag:s20], $0x1000  }
0x8d: {  	[sflag:s20] =	ssyncset.done $0x0  }
0x8e: {  	s17 =	smov.u32 s22;
	[sflag:s20] =	ssyncadd.s32 $0xFFFFF000  }
0x8f: {  	[spmem:s4] =	stream.indirect.scatter.add.f32 [tilespmem:s23], [sflag:$0x5], $0x10, s19, s24, $0xb8;
	[tilespmem:$0x1D250] =	vst v63  }
0x90: {  	s17 =	sadd.s32 $0x180, s16  }
0x91: {  	[tilespmem:s31], [sflag:$0x4] =	stream.indirect.gather [spmem:s1], $0x20, s17, s24, $0xb8;
	[tilespmem:$0x1D250] =	vst v63  }
0x92: {  	_ =	swait.ge [sflag:s0], $0x1000  }
0x93: {  	[sflag:s0] =	ssyncset.done $0x0  }
0x94: {  	s19 =	sadd.s32 $0x2780, s16;
	[sflag:s0] =	ssyncadd.s32 $0xFFFFF000  }
0x95: {  	[spmem:s3] =	stream.indirect.scatter.add.f32 [tilespmem:s28], [sflag:$0x6], $0x20, s19, s24, $0xb8;
	[tilespmem:$0x1D250] =	vst v63  }
0x96: {  	_ =	swait.ge [sflag:s20], $0x1000  }
0x97: {  	[sflag:s20] =	ssyncset.done $0x0  }
0x98: {  	[sflag:s20] =	ssyncadd.s32 $0xFFFFF000  }
0x99: {  	[spmem:s4] =	stream.indirect.scatter.add.f32 [tilespmem:s23], [sflag:$0x5], $0x10, s19, s24, $0xb8;
	[tilespmem:$0x1D250] =	vst v63  }
0x9a: {  	s22 =	sadd.s32 $0x200, s16  }
0x9b: {  	[tilespmem:s28], [sflag:$0x1] =	stream.indirect.gather [spmem:s1], $0x20, s22, s24, $0xb8;
	[tilespmem:$0x1D250] =	vst v63  }
0x9c: {  	_ =	swait.ge [sflag:s2], $0x1000  }
0x9d: {  	[sflag:s2] =	ssyncset.done $0x0  }
0x9e: {  	s18 =	sadd.s32 $0x2800, s16;
	[sflag:s2] =	ssyncadd.s32 $0xFFFFF000  }
0x9f: {  	[spmem:s3] =	stream.indirect.scatter.add.f32 [tilespmem:s29], [sflag:$0x6], $0x20, s18, s24, $0xb8;
	[tilespmem:$0x1D250] =	vst v63  }
0xa0: {  	_ =	swait.ge [sflag:s20], $0x1000  }
0xa1: {  	[sflag:s20] =	ssyncset.done $0x0  }
0xa2: {  	[sflag:s20] =	ssyncadd.s32 $0xFFFFF000  }
0xa3: {  	[spmem:s4] =	stream.indirect.scatter.add.f32 [tilespmem:s23], [sflag:$0x5], $0x10, s18, s24, $0xb8;
	[tilespmem:$0x1D250] =	vst v63  }
0xa4: {  	s19 =	sadd.s32 $0x280, s16  }
0xa5: {  	[tilespmem:s29], [sflag:$0x2] =	stream.indirect.gather [spmem:s1], $0x20, s19, s24, $0xb8;
	[tilespmem:$0x1D250] =	vst v63  }
0xa6: {  	_ =	swait.ge [sflag:s9], $0x1000  }
0xa7: {  	[sflag:s9] =	ssyncset.done $0x0  }
0xa8: {  	s22 =	sadd.s32 $0x2880, s16;
	[sflag:s9] =	ssyncadd.s32 $0xFFFFF000  }
0xa9: {  	[spmem:s3] =	stream.indirect.scatter.add.f32 [tilespmem:s30], [sflag:$0x6], $0x20, s22, s24, $0xb8;
	[tilespmem:$0x1D250] =	vst v63  }
0xaa: {  	_ =	swait.ge [sflag:s20], $0x1000  }
0xab: {  	[sflag:s20] =	ssyncset.done $0x0  }
0xac: {  	[sflag:s20] =	ssyncadd.s32 $0xFFFFF000  }
0xad: {  	[spmem:s4] =	stream.indirect.scatter.add.f32 [tilespmem:s23], [sflag:$0x5], $0x10, s22, s24, $0xb8;
	[tilespmem:$0x1D250] =	vst v63  }
0xae: {  	s18 =	sadd.s32 $0x300, s16  }
0xaf: {  	[tilespmem:s30], [sflag:$0x3] =	stream.indirect.gather [spmem:s1], $0x20, s18, s24, $0xb8;
	[tilespmem:$0x1D250] =	vst v63  }
0xb0: {  	_ =	swait.ge [sflag:s26], $0x1000  }
0xb1: {  	[sflag:s26] =	ssyncset.done $0x0  }
0xb2: {  	s19 =	sadd.s32 $0x2900, s16;
	[sflag:s26] =	ssyncadd.s32 $0xFFFFF000  }
0xb3: {  	[spmem:s3] =	stream.indirect.scatter.add.f32 [tilespmem:s31], [sflag:$0x6], $0x20, s19, s24, $0xb8;
	[tilespmem:$0x1D250] =	vst v63  }
0xb4: {  	_ =	swait.ge [sflag:s20], $0x1000  }
0xb5: {  	[sflag:s20] =	ssyncset.done $0x0  }
0xb6: {  	[sflag:s20] =	ssyncadd.s32 $0xFFFFF000  }
0xb7: {  	[spmem:s4] =	stream.indirect.scatter.add.f32 [tilespmem:s23], [sflag:$0x5], $0x10, s19, s24, $0xb8;
	[tilespmem:$0x1D250] =	vst v63  }
0xb8: {  	s22 =	simm.s32 $0x2580  }
0xb9: {  	[tilespmem:s31], [sflag:$0x4] =	stream.indirect.gather [spmem:s1], $0x20, s22, s24, $0xb8;
	[tilespmem:$0x1D250] =	vst v63  }
0xba: {  	_ =	swait.ge [sflag:s0], $0x1000  }
0xbb: {  	[sflag:s0] =	ssyncset.done $0x0  }
0xbc: {  	[sflag:s0] =	ssyncadd.s32 $0xFFFFF000  }
0xbd: {  	[spmem:s3] =	stream.indirect.scatter.add.f32 [tilespmem:s28], [sflag:$0x6], $0x20, s6, s24, $0xb8;
	[tilespmem:$0x1D250] =	vst v63  }
0xbe: {  	_ =	swait.ge [sflag:s20], $0x1000  }
0xbf: {  	[sflag:s20] =	ssyncset.done $0x0  }
0xc0: {  	[sflag:s20] =	ssyncadd.s32 $0xFFFFF000  }
0xc1: {  	[spmem:s4] =	stream.indirect.scatter.add.f32 [tilespmem:s23], [sflag:$0x5], $0x10, s6, s24, $0xb8;
	[tilespmem:$0x1D250] =	vst v63  }
0xc2: {  	_ =	swait.ge [sflag:s2], $0x1000  }
0xc3: {  	[sflag:s2] =	ssyncset.done $0x0  }
0xc4: {  	[sflag:s2] =	ssyncadd.s32 $0xFFFFF000  }
0xc5: {  	[spmem:s3] =	stream.indirect.scatter.add.f32 [tilespmem:s29], [sflag:$0x6], $0x20, s7, s24, $0xb8;
	[tilespmem:$0x1D250] =	vst v63  }
0xc6: {  	_ =	swait.ge [sflag:s20], $0x1000  }
0xc7: {  	[sflag:s20] =	ssyncset.done $0x0  }
0xc8: {  	[sflag:s20] =	ssyncadd.s32 $0xFFFFF000  }
0xc9: {  	[spmem:s4] =	stream.indirect.scatter.add.f32 [tilespmem:s23], [sflag:$0x5], $0x10, s7, s24, $0xb8;
	[tilespmem:$0x1D250] =	vst v63  }
0xca: {  	_ =	swait.ge [sflag:s9], $0x1000  }
0xcb: {  	[sflag:s9] =	ssyncset.done $0x0  }
0xcc: {  	[sflag:s9] =	ssyncadd.s32 $0xFFFFF000  }
0xcd: {  	[spmem:s3] =	stream.indirect.scatter.add.f32 [tilespmem:s30], [sflag:$0x6], $0x20, s8, s24, $0xb8;
	[tilespmem:$0x1D250] =	vst v63  }
0xce: {  	_ =	swait.ge [sflag:s20], $0x1000  }
0xcf: {  	[sflag:s20] =	ssyncset.done $0x0  }
0xd0: {  	[sflag:s20] =	ssyncadd.s32 $0xFFFFF000  }
0xd1: {  	[spmem:s4] =	stream.indirect.scatter.add.f32 [tilespmem:s23], [sflag:$0x5], $0x10, s8, s24, $0xb8;
	[tilespmem:$0x1D250] =	vst v63  }
0xd2: {  	_ =	swait.ge [sflag:s26], $0x1000  }
0xd3: {  	[sflag:s26] =	ssyncset.done $0x0  }
0xd4: {  	[sflag:s26] =	ssyncadd.s32 $0xFFFFF000  }
0xd5: {  	[spmem:s3] =	stream.indirect.scatter.add.f32 [tilespmem:s31], [sflag:$0x6], $0x20, s11, s24, $0xb8;
	[tilespmem:$0x1D250] =	vst v63  }
0xd6: {  	_ =	swait.ge [sflag:s20], $0x1000  }
0xd7: {  	[sflag:s20] =	ssyncset.done $0x0  }
0xd8: {  	[sflag:s20] =	ssyncadd.s32 $0xFFFFF000  }
0xd9: {  	[spmem:s4] =	stream.indirect.scatter.add.f32 [tilespmem:s23], [sflag:$0x5], $0x10, s11, s24, $0xb8;
	[tilespmem:$0x1D250] =	vst v63  }
0xda: {  	s16 =	simm.s32 $0x2600  }
0xdb: {  	[tilespmem:s28], [sflag:$0x1] =	stream.indirect.gather [spmem:s1], $0x20, s16, s24, $0xb8;
	[tilespmem:$0x1D250] =	vst v63  }
0xdc: {  	_ =	swait.ge [sflag:s0], $0x1000  }
0xdd: {  	[sflag:s0] =	ssyncset.done $0x0  }
0xde: {  	s17 =	simm.s32 $0x4D80;
	[sflag:s0] =	ssyncadd.s32 $0xFFFFF000  }
0xdf: {  	[spmem:s3] =	stream.indirect.scatter.add.f32 [tilespmem:s28], [sflag:$0x6], $0x20, s17, s24, $0xb8;
	[tilespmem:$0x1D250] =	vst v63  }
0xe0: {  	p0 =	sne.s32 s10, $0x1;
	_ =	swait.ge [sflag:s20], $0x1000  }
.Ltmp1:
0xe1: {  	[sflag:s20] =	ssyncset.done $0x0;
	(pc) =	sbr.rel @!p0 .LBB2_5-.Ltmp1, $4  }
0xe2: {  	[sflag:s20] =	ssyncadd.s32 $0xFFFFF000  }
0xe3: {  	[spmem:s4] =	stream.indirect.scatter.add.f32 [tilespmem:s23], [sflag:$0x6], $0x10, s17, s24, $0xb8;
	[tilespmem:$0x1D250] =	vst v63  }
0xe4: {  	_ =	swait.ge [sflag:s20], $0x800  }
0xe5: {  	s18 =	sadd.s32 $0xFFFFFFFF, s10;
	[sflag:s20] =	ssyncset.done $0x0  }
.LBB2_4:
0xe6: {  	[sflag:s20] =	ssyncadd.s32 $0xFFFFF800;
	s16 =	sadd.s32 $0x80, s16;
	s17 =	sadd.s32 $0x80, s17  }
0xe7: {  	[tilespmem:s28], [sflag:$0x1] =	stream.indirect.gather [spmem:s1], $0x20, s16, s24, $0xb8;
	[tilespmem:$0x1D250] =	vst v63  }
0xe8: {  	p0 =	sne.s32 s18, $0x1;
	s18 =	sadd.s32 $0xFFFFFFFF, s18;
	_ =	swait.ge [sflag:s0], $0x1000  }
0xe9: {  	[sflag:s0] =	ssyncset.done $0x0  }
0xea: {  	[sflag:s0] =	ssyncadd.s32 $0xFFFFF000  }
0xeb: {  	[spmem:s3] =	stream.indirect.scatter.add.f32 [tilespmem:s28], [sflag:$0x6], $0x20, s17, s24, $0xb8;
	[tilespmem:$0x1D250] =	vst v63  }
0xec: {  	_ =	swait.ge [sflag:s20], $0x1000  }
.Ltmp2:
0xed: {  	[sflag:s20] =	ssyncset.done $0x0;
	(pc) =	sbr.rel @p0 .LBB2_4-.Ltmp2, $4  }
0xee: {  	[sflag:s20] =	ssyncadd.s32 $0xFFFFF000  }
0xef: {  	[spmem:s4] =	stream.indirect.scatter.add.f32 [tilespmem:s23], [sflag:$0x6], $0x10, s17, s24, $0xb8;
	[tilespmem:$0x1D250] =	vst v63  }
0xf0: {  	_ =	swait.ge [sflag:s20], $0x800  }
0xf1: {  	[sflag:s20] =	ssyncset.done $0x0  }
.LBB2_5:
0xf2: {  	[sflag:s20] =	ssyncadd.s32 $0xFFFFF800  }
0xf3: {  	_ =	swait.ge [sflag:s14], $0x800  }
0xf4: {  	s16 =	simm.s32 $0x4B;
	[sflag:s14] =	ssyncset.done $0x0  }
.LBB2_6:
0xf5: {  	p0 =	sne.s32 s16, $0x1;
	s16 =	sadd.s32 $0xFFFFFFFF, s16;
	[sflag:s14] =	ssyncadd.s32 $0xFFFFF800  }
.Ltmp3:
0xf6: {  	(pc) =	sbr.rel @p0 .LBB2_6-.Ltmp3, $3  }
0xf7: {  	_ =	sdelay $0x1  }
0xf8: {  	_ =	swait.ge [sflag:s14], $0x800  }
0xf9: {  	[sflag:s14] =	ssyncset.done $0x0  }
0xfa: {  	[sflag:s14] =	ssyncadd.s32 $0xFFFFF800  }
0xfb: {  	[bflag:$0x0] =	sbarrier.arrive $0xFFFF  }
0xfc: {  	s16 =	rddreg [dreg:$0xd]  }
0xfd: {  	[hbm:s16], [sflag:s12] =	dma.local [spmem:s21], $0xA00  }
0xfe: {  	_ =	swait.ge [sflag:s20], $0xA00  }
0xff: {  	[sflag:s20] =	ssyncset.done $0x0  }
0x100: {  	s19 =	simm.s32 $0x15A50;
	[sflag:s20] =	ssyncadd.s32 $0xFFFFF600  }
0x101: {  	[tilespmem:s19], [sflag:$0x6] =	stream.linear.gather [spmem:s13], $0x2800, $0x38;
	[tilespmem:$0x1D250] =	vst v63  }
0x102: {  	_ =	swait.ge [sflag:s20], $0x2800  }
0x103: {  	[sflag:s20] =	ssyncset.done $0x0  }
0x104: {  	s22 =	simm.s32 $0x0;
	[sflag:s20] =	ssyncadd.s32 $0xFFFFD800  }
0x105: {  	v0 =	vld [tilespmem:s22+$0x15A50];
	_ =	sdelay $0x3  }
0x106: {  	s16 =	simm.s32 $0x18260  }
0x107: {  	[tilespmem:s16+$0xFFFFFFF0] =	vst v0  }
0x108: {  	s18 =	simm.s32 $0x10;
	s17 =	simm.s32 $0x80;
	[tilespmem:s16+$0x0] =	vst v0  }
.LBB2_8:
0x109: {  	p0 =	sne.s32 s17, $0x9FC0;
	v0 =	vld [tilespmem:s18+$0x15A50];
	_ =	sdelay $0x1  }
.Ltmp4:
0x10a: {  	(pc) =	sbr.rel @p0 .LBB2_8-.Ltmp4, $4  }
0x10b: {  	_ = 	snop  }
0x10c: {  	s16 =	sadd.s32 $0x20, s16  }
0x10d: {  	[tilespmem:s16+$0xFFFFFFF0] =	vst v0  }
0x10e: {  	s18 =	sshra.s32 s17, $0x2;
	s17 =	sadd.s32 $0x40, s17;
	[tilespmem:s16+$0x0] =	vst v0  }
0x10f: {  	v0 =	vld [tilespmem:s18+$0x15A50];
	_ =	sdelay $0x3  }
0x110: {  	s16 =	sadd.s32 $0x20, s16  }
0x111: {  	[tilespmem:s16+$0xFFFFFFF0] =	vst v0  }
0x112: {  	s19 =	rddreg [dreg:$0xe];
	s17 =	simm.s32 $0x18250;
	[tilespmem:s16+$0x0] =	vst v0  }
0x113: {  	[hbm4b:s19+s5] =	stream.linear.scatter [tilespmem:s17], [sflag:$0x6], $0x5000, $0x38;
	[tilespmem:$0x1D250] =	vst v63  }
0x114: {  	_ =	swait.ge [sflag:s20], $0x5000  }
0x115: {  	s15 =	sadd.s32 $0x1, s15;
	s22 =	rddreg [dreg:$0xf]  }
0x116: {  	p0 =	sne.s32 s15, s22  }
.Ltmp5:
0x117: {  	_ = 	snop;
	(pc) =	sbr.rel @p0 .LBB2_1-.Ltmp5, $3  }
0x118: {  	_ =	sdelay $0x1  }
0x119: {  	[sflag:s20] =	ssyncset.done $0x0  }
0x11a: {  	[sflag:s20] =	ssyncadd.s32 $0xFFFFB000  }
0x11b: {  	_ =	sfence.sel $0x180000  }
0x11c: {  	[bflag:$0x0] =	sbarrier.arrive $0xFFFF  }
0x11d: {  	_ =	strace $0x90000047  }
0x11e: {  	s0 =	stileid.u32;
	[bflag:$0x2] =	sbarrier.arrive $0xFFFF  }
0x11f: {  	p0 =	sne.s32 s0, $0x0;
	s0 =	rddreg [dreg:$0x6]  }
0x120: {  	s0 =	sadd.s32 @!p0 $0x100000, s0  }
0x121: {  	[sflag:s0] =	ssyncadd.tile.s32 @!p0 $0x1;
	_ =	shalt  }
.Lfunc_end2:
_tile_overlayer_lowered:
.L_overlay_start_2:
0x122: {  	(tag) =	ssettag $0x2  }
0x123: {  	s0 =	rddreg [dreg:$0x0];
	s2 =	stileid.u32  }
0x124: {  	s1 =	rddreg [dreg:$0x1];
	p0 =	sne.s32 s2, $0x0  }
0x125: {  	s3 =	rddreg [dreg:$0x2];
	[bflag:$0x3] =	sbarrier.arrive $0xFFFF;
	s2 =	simm.s32 @!p0 $0x1C06  }
0x126: {  	[timem:s3], [sflag:s2] =	dma.local @!p0 [hbm:s0], s1  }
0x127: {  	s0 =	simm.s32 @!p0 $0x6  }
0x128: {  	_ =	swait.ge @!p0 [sflag:s0], s1  }
0x129: {  	s1 =	ssub.s32 @!p0 $0x0, s1;
	[sflag:s0] =	ssyncset.done @!p0 $0x0  }
0x12a: {  	[sflag:s0] =	ssyncadd.s32 @!p0 s1  }
0x12b: {  	[bflag:$0x3] =	sbarrier.arrive $0xFFFF  }
0x12c: {  	_ =	shalt  }

</sc_bundles>
